<compile_context>
chip_gen: v7x
topology: tpu7x:2x2x1
jax: 0.10.2.dev20260603
libtpu: 0.0.44.dev20260713+nightly
codegen_flags: <defaults>
</compile_context>

<pallas_src>
import functools

import jax
import jax.numpy as jnp
from jax import lax
from jax.experimental import pallas as pl
from jax.experimental.pallas import tpu as pltpu
from jax.experimental.pallas import tpu_sc as plsc

NC = 2
NS = 16
L = 16


def _p1_body(x_ref, t_ref, se_ref, nr_ref):
    x = x_ref[...]
    t = t_ref[...]
    d = x - t
    ones8 = jnp.ones((8, x.shape[1]), jnp.float32)
    dn = (((1,), (1,)), ((), ()))
    se8 = lax.dot_general(ones8, d * d, dn, preferred_element_type=jnp.float32)
    nr8 = lax.dot_general(ones8, t * t, dn, preferred_element_type=jnp.float32)
    se_ref[...] = se8[0, :]
    nr_ref[...] = jnp.sqrt(nr8[0, :])


def _pass1(x, t, blk=8192):
    n, d = x.shape
    return pl.pallas_call(
        _p1_body,
        grid=(n // blk,),
        in_specs=[pl.BlockSpec((blk, d), lambda i: (i, 0))] * 2,
        out_specs=[pl.BlockSpec((blk,), lambda i: (i,))] * 2,
        out_shape=[jax.ShapeDtypeStruct((n,), jnp.float32)] * 2,
    )(x, t)


_R1_BINS, _R2_BINS, _R3_BINS = 2048, 2048, 512
_U = 2


def _make_quantile_kernel(n, nq):
    per_tile = n // NS
    assert per_tile * NS == n and per_tile % L == 0
    mesh = plsc.VectorSubcoreMesh(
        core_axis_name="c", subcore_axis_name="s", num_cores=NC, num_subcores=NS
    )

    @functools.partial(
        pl.kernel,
        out_type=jax.ShapeDtypeStruct((NC, L), jnp.float32),
        mesh=mesh,
        compiler_params=pltpu.CompilerParams(needs_layout_passes=False),
        scratch_types=[
            pltpu.VMEM((per_tile,), jnp.float32),
            pltpu.VMEM((1, _U * 4096), jnp.int32),
            pltpu.VMEM((1, 4096), jnp.int32),
            pltpu.VMEM((L,), jnp.float32),
            pltpu.VMEM((1,), jnp.int32),
            pltpu.VMEM((L,), jnp.float32),
            pltpu.VMEM_SHARED((1, 4096), jnp.int32),
        ],
    )
    def qkernel(norms_hbm, q_hbm, zero1_hbm, out_hbm,
                nrm_v, hist_v, mhist_v, q_v, idx0_v, res_v, shared):
        cid = lax.axis_index("c")
        sid = lax.axis_index("s")

        pltpu.sync_copy(norms_hbm.at[pl.ds(sid * per_tile, per_tile)], nrm_v)
        pltpu.sync_copy(q_hbm, q_v.at[pl.ds(0, nq)])
        pltpu.sync_copy(zero1_hbm, idx0_v)

        lane = lax.iota(jnp.int32, L)
        zeros16 = jnp.zeros((L,), jnp.int32)
        ones16 = jnp.ones((L,), jnp.int32)
        idx15 = jnp.full((L,), L - 1, jnp.int32)

        qv = q_v[...]
        q0 = jnp.max(jnp.where(lane == 0, qv, 0.0))
        q2 = jnp.max(jnp.where(lane == nq - 1, qv, 0.0))
        qc = jnp.where(cid == 0, q0, q2)
        idxf = jnp.full((L,), qc) * jnp.float32(n - 1)
        ka_vec = idxf.astype(jnp.int32)
        frac_vec = idxf - ka_vec.astype(jnp.float32)
        kb_vec = jnp.minimum(ka_vec + 1, n - 1)

        def begin_round(nsub, nwords):
            @plsc.parallel_loop(0, nwords // L, unroll=4)
            def _(i):
                for u in range(nsub):
                    hist_v[0, pl.ds(u * 4096 + i * L, L)] = zeros16

            @plsc.parallel_loop(0, 4096 // L, unroll=8)
            def _(i):
                mhist_v[0, pl.ds(i * L, L)] = zeros16

            @pl.when(sid == 0)
            def _():
                pltpu.sync_copy(mhist_v, shared)
            plsc.subcore_barrier()

        def merge_hist(nsub, nwords):
            @plsc.parallel_loop(0, nwords // L, unroll=4)
            def _(i):
                acc = hist_v[0, pl.ds(i * L, L)]
                for u in range(1, nsub):
                    acc = acc + hist_v[0, pl.ds(u * 4096 + i * L, L)]
                mhist_v[0, pl.ds(i * L, L)] = acc
            pltpu.sync_copy(mhist_v, shared.at[idx0_v], add=True)
            plsc.subcore_barrier()
            pltpu.sync_copy(shared, mhist_v)
            plsc.subcore_barrier()

        def _splat_last(cum):
            return lax.gather(
                cum, idx15[:, None],
                lax.GatherDimensionNumbers(
                    offset_dims=(), collapsed_slice_dims=(0,),
                    start_index_map=(0,)),
                (1,), mode=lax.GatherScatterMode.PROMISE_IN_BOUNDS)

        def scan_multi(specs, nchunks):
            def sbody(i, carry):
                ci = 0
                new_carry = []
                for base, _, kvecs in specs:
                    tot = carry[ci]
                    ci += 1
                    h = mhist_v[0, pl.ds(base + i * L, L)]
                    cum = plsc.cumsum(h) + tot
                    new_carry.append(_splat_last(cum))
                    for kv in kvecs:
                        mask = cum <= kv
                        new_carry.append(carry[ci] + jnp.where(mask, 1, 0))
                        new_carry.append(jnp.maximum(carry[ci + 1],
                                                     jnp.where(mask, cum, 0)))
                        ci += 2
                return tuple(new_carry)

            init = []
            for _, tot0, kvecs in specs:
                init.append(tot0)
                init.extend([zeros16] * (2 * len(kvecs)))
            out = lax.fori_loop(0, nchunks, sbody, tuple(init), unroll=2)
            res = []
            ci = 0
            for _, _, kvecs in specs:
                ci += 1
                cur = []
                for _ in kvecs:
                    cur.append((jnp.sum(out[ci]), jnp.max(out[ci + 1])))
                    ci += 2
                res.append(cur)
            return res

        begin_round(_U, _R1_BINS)

        @plsc.parallel_loop(0, per_tile // L, unroll=_U)
        def _(i):
            v = nrm_v[pl.ds(i * L, L)]
            bits = plsc.bitcast(v, jnp.int32)
            hi = bits >> 20
            u = (i % _U) * 4096
            plsc.addupdate_scatter(hist_v, [zeros16, u + hi], ones16)
        merge_hist(_U, _R1_BINS)

        half = _R1_BINS // 2

        def pbody(i, acc):
            return acc + mhist_v[0, pl.ds(i * L, L)]
        accv = lax.fori_loop(0, half // L, pbody, zeros16, unroll=8)
        htvec = jnp.full((L,), jnp.sum(accv))

        r1 = scan_multi([(0, zeros16, [ka_vec, kb_vec]),
                         (half, htvec, [ka_vec, kb_vec])], half // L)
        b1a = r1[0][0][0] + r1[1][0][0]
        c1a = jnp.maximum(r1[0][0][1], r1[1][0][1])
        b1b = r1[0][1][0] + r1[1][1][0]
        c1b = jnp.maximum(r1[0][1][1], r1[1][1][1])
        ka = jnp.max(ka_vec)
        kb = jnp.max(kb_vec)
        r2a_vec = jnp.full((L,), ka - c1a)
        r2b_vec = jnp.full((L,), kb - c1b)

        begin_round(_U, 2 * _R2_BINS)

        @plsc.parallel_loop(0, per_tile // L, unroll=_U)
        def _(i):
            v = nrm_v[pl.ds(i * L, L)]
            bits = plsc.bitcast(v, jnp.int32)
            hi = bits >> 20
            mid = (bits >> 9) & 0x7FF
            u = (i % _U) * 4096
            plsc.addupdate_scatter(hist_v, [zeros16, u + mid],
                                   ones16, mask=hi == b1a)
            plsc.addupdate_scatter(hist_v, [zeros16, u + _R2_BINS + mid],
                                   ones16, mask=hi == b1b)
        merge_hist(_U, 2 * _R2_BINS)

        r2 = scan_multi([(0, zeros16, [r2a_vec]),
                         (_R2_BINS, zeros16, [r2b_vec])], _R2_BINS // L)
        b2a, c2a = r2[0][0]
        b2b, c2b = r2[1][0]
        r3a_vec = r2a_vec - c2a
        r3b_vec = r2b_vec - c2b

        begin_round(_U, 2 * _R2_BINS)

        @plsc.parallel_loop(0, per_tile // L, unroll=_U)
        def _(i):
            v = nrm_v[pl.ds(i * L, L)]
            bits = plsc.bitcast(v, jnp.int32)
            hi = bits >> 20
            mid = (bits >> 9) & 0x7FF
            lo = bits & 0x1FF
            u = (i % _U) * 4096
            plsc.addupdate_scatter(hist_v, [zeros16, u + lo], ones16,
                                   mask=(hi == b1a) & (mid == b2a))
            plsc.addupdate_scatter(hist_v, [zeros16, u + _R2_BINS + lo],
                                   ones16, mask=(hi == b1b) & (mid == b2b))
        merge_hist(_U, 2 * _R2_BINS)

        r3 = scan_multi([(0, zeros16, [r3a_vec]),
                         (_R2_BINS, zeros16, [r3b_vec])], _R3_BINS // L)
        b3a = r3[0][0][0]
        b3b = r3[1][0][0]

        bits_a = (b1a << 20) | (b2a << 9) | b3a
        bits_b = (b1b << 20) | (b2b << 9) | b3b
        va = plsc.bitcast(jnp.full((L,), bits_a, jnp.int32), jnp.float32)
        vb = plsc.bitcast(jnp.full((L,), bits_b, jnp.int32), jnp.float32)
        res_v[...] = va + frac_vec * (vb - va)

        @pl.when(sid == 0)
        def _():
            pltpu.sync_copy(res_v, out_hbm.at[cid])

    return qkernel


def _make_p3_body(scale):
    def _p3_body(nr_ref, se_ref, qv_ref, pq_ref, w_ref, out_ref):
        i = pl.program_id(0)
        n = nr_ref[...]
        se = se_ref[...]
        q_lo = qv_ref[0, 0]
        q_hi = qv_ref[1, 0]
        tw = jnp.where(n < q_lo, w_ref[0], 0.0)
        tw = jnp.where((n >= pq_ref[1]) & (n < pq_ref[2]), w_ref[1], tw)
        tw = jnp.where(n > q_hi, w_ref[2], tw)
        part = jnp.sum(tw * se).reshape(1, 1)

        @pl.when(i == 0)
        def _():
            out_ref[...] = jnp.zeros((1, 1), jnp.float32)

        out_ref[...] += part

        @pl.when(i == pl.num_programs(0) - 1)
        def _():
            out_ref[...] = out_ref[...] * scale
    return _p3_body


def _pass3(norms, sqerr, qv, pq, w, total, blk=65536):
    n = norms.shape[0]
    smem = pl.BlockSpec(memory_space=pltpu.SMEM)
    return pl.pallas_call(
        _make_p3_body(1.0 / total),
        grid=(n // blk,),
        in_specs=[
            pl.BlockSpec((blk,), lambda i: (i,)),
            pl.BlockSpec((blk,), lambda i: (i,)),
            smem, smem, smem,
        ],
        out_specs=pl.BlockSpec((1, 1), lambda i: (0, 0)),
        out_shape=jax.ShapeDtypeStruct((1, 1), jnp.float32),
    )(norms, sqerr, qv, pq, w)


def kernel(input, target, quantiles, weights):
    n, d = target.shape
    sqerr, norms = _pass1(input, target)

    zero1 = jnp.zeros((1,), jnp.int32)
    qv = _make_quantile_kernel(n, int(quantiles.shape[0]))(
        norms, quantiles.astype(jnp.float32), zero1)
    loss = _pass3(norms, sqerr, qv, quantiles.astype(jnp.float32),
                  weights.astype(jnp.float32), float(n) * float(d))
    return loss.reshape(())

# --- scband reference (transcript-rebuilt; emitter-appended) ---
"""Pipeline reference for scband-batch-quantile-loss-34737695490620 (READ-ONLY COPY).

The authoritative reference and input builder live on the scoring server;
editing this copy changes nothing except your own understanding.
"""

import jax, jax.numpy as jnp
import numpy as np


def setup_inputs(seed: int = 0) -> dict:
    key = jax.random.key(seed)
    k1, k2 = jax.random.split(key)
    N, D = 262144, 128
    return {
        "input": jax.random.normal(k1, (N, D), dtype=jnp.float32),
        "target": jax.random.normal(k2, (N, D), dtype=jnp.float32),
        # buffers from quantile_weights = {0.1: 0.5, 0.5: 1.0, 0.9: 2.0}
        "quantiles": jnp.array([0.1, 0.5, 0.9], dtype=jnp.float32),
        "weights": jnp.array([0.5, 1.0, 2.0], dtype=jnp.float32),
    }


def reference(input, target, quantiles, weights):
    # use_norm=True
    target_quantity = jnp.linalg.norm(target, axis=-1, keepdims=True)  # [N, 1]
    # torch.quantile over all elements with vector q -> [K]
    target_quantiles = jnp.quantile(target_quantity, quantiles)
    # torch uses empty_like (uninitialized); we initialize to zeros deterministically
    tw = jnp.zeros_like(target_quantity)
    tw = jnp.where(target_quantity < target_quantiles[0], weights[0], tw)
    # NOTE: faithfully replicates the original code's comparison against the
    # quantile PROBABILITIES (self.quantiles), not the computed quantile values.
    for index in range(1, int(weights.shape[0]) - 1):
        mask = (target_quantity >= quantiles[index]) & (target_quantity < quantiles[index + 1])
        tw = jnp.where(mask, weights[index], tw)
    tw = jnp.where(target_quantity > target_quantiles[-1], weights[-1], tw)
    # mse loss, reduction='none'
    unweighted_loss = (input - target) ** 2
    weighted_loss = unweighted_loss * tw
    return weighted_loss.mean()

if __name__ == "__main__":
    import jax
    _d = setup_inputs()
    print(jax.jit(kernel)(*tuple(_d.values())))

</pallas_src>

<mosaic_0001>
#map = affine_map<(d0, d1) -> (0)>
#map1 = affine_map<(d0, d1) -> (0, 0)>
module attributes {stable_mosaic.version = 14 : i64} {
  func.func @qkernel(%arg0: i32, %arg1: i32, %arg2: memref<262144xf32, #tpu.memory_space<hbm>>, %arg3: memref<3xf32, #tpu.memory_space<hbm>>, %arg4: memref<1xi32, #tpu.memory_space<hbm>>, %arg5: memref<2x16xf32, #tpu.memory_space<hbm>>, %arg6: memref<16384xf32, #tpu.memory_space<vmem>>, %arg7: memref<1x8192xi32, #tpu.memory_space<vmem>>, %arg8: memref<1x4096xi32, #tpu.memory_space<vmem>>, %arg9: memref<16xf32, #tpu.memory_space<vmem>>, %arg10: memref<1xi32, #tpu.memory_space<vmem>>, %arg11: memref<16xf32, #tpu.memory_space<vmem>>, %arg12: memref<1x4096xi32, #tpu.memory_space<vmem_shared>>) attributes {dimension_semantics = [#tpu.dimension_semantics<core_parallel>, #tpu.dimension_semantics<subcore_parallel>], iteration_bounds = array<i64: 2, 16>, scalar_prefetch = 0 : i64, scratch_operands = 7 : i64, tpu.core_type = #tpu.core_type<sc_vector_subcore>, window_params = [{transform_indices = #map}, {transform_indices = #map}, {transform_indices = #map}, {transform_indices = #map1}]} {
    %mul3A = arith.constant 16384 : i32
    %mul3A_0 = arith.muli %arg1, %mul3A : i32
    "tpu.region"() ({
      %run_scoped3A = tpu.sem_alloc : memref<!tpu.dma_semaphore, #tpu.memory_space<semaphore_mem>>
      %dma_start3A = tpu.memref_slice %arg2[%mul3A_0] : memref<262144xf32, #tpu.memory_space<hbm>> -> memref<16384xf32, #tpu.memory_space<hbm>>
      %dma_start3A_264 = tpu.memref_slice %arg2[%mul3A_0] : memref<262144xf32, #tpu.memory_space<hbm>> -> memref<16384xf32, #tpu.memory_space<hbm>>
      tpu.enqueue_dma source(%dma_start3A_264 : memref<16384xf32, #tpu.memory_space<hbm>>) target(%arg6 : memref<16384xf32, #tpu.memory_space<vmem>>) target_semaphore(%run_scoped3A : memref<!tpu.dma_semaphore, #tpu.memory_space<semaphore_mem>>)
      %dma_wait3A = tpu.memref_slice %arg2[%mul3A_0] : memref<262144xf32, #tpu.memory_space<hbm>> -> memref<16384xf32, #tpu.memory_space<hbm>>
      %dma_wait3A_265 = tpu.memref_slice %arg2[%mul3A_0] : memref<262144xf32, #tpu.memory_space<hbm>> -> memref<16384xf32, #tpu.memory_space<hbm>>
      tpu.wait_dma2 semaphore(%run_scoped3A : memref<!tpu.dma_semaphore, #tpu.memory_space<semaphore_mem>>) src(%dma_wait3A_265 : memref<16384xf32, #tpu.memory_space<hbm>>) dst(%arg6 : memref<16384xf32, #tpu.memory_space<vmem>>)
      tpu.yield
    }) : () -> ()
    "tpu.region"() ({
      %run_scoped3A = tpu.sem_alloc : memref<!tpu.dma_semaphore, #tpu.memory_space<semaphore_mem>>
      %dma_start3A = arith.constant 0 : i32
      %dma_start3A_264 = tpu.memref_slice %arg9[%dma_start3A] : memref<16xf32, #tpu.memory_space<vmem>> -> memref<3xf32, #tpu.memory_space<vmem>>
      %dma_start3A_265 = arith.constant 0 : i32
      %dma_start3A_266 = tpu.memref_slice %arg9[%dma_start3A_265] : memref<16xf32, #tpu.memory_space<vmem>> -> memref<3xf32, #tpu.memory_space<vmem>>
      tpu.enqueue_dma source(%arg3 : memref<3xf32, #tpu.memory_space<hbm>>) target(%dma_start3A_266 : memref<3xf32, #tpu.memory_space<vmem>>) target_semaphore(%run_scoped3A : memref<!tpu.dma_semaphore, #tpu.memory_space<semaphore_mem>>)
      %dma_wait3A = arith.constant 0 : i32
      %dma_wait3A_267 = tpu.memref_slice %arg9[%dma_wait3A] : memref<16xf32, #tpu.memory_space<vmem>> -> memref<3xf32, #tpu.memory_space<vmem>>
      %dma_wait3A_268 = arith.constant 0 : i32
      %dma_wait3A_269 = tpu.memref_slice %arg9[%dma_wait3A_268] : memref<16xf32, #tpu.memory_space<vmem>> -> memref<3xf32, #tpu.memory_space<vmem>>
      tpu.wait_dma2 semaphore(%run_scoped3A : memref<!tpu.dma_semaphore, #tpu.memory_space<semaphore_mem>>) src(%arg3 : memref<3xf32, #tpu.memory_space<hbm>>) dst(%dma_wait3A_269 : memref<3xf32, #tpu.memory_space<vmem>>)
      tpu.yield
    }) : () -> ()
    "tpu.region"() ({
      %run_scoped3A = tpu.sem_alloc : memref<!tpu.dma_semaphore, #tpu.memory_space<semaphore_mem>>
      tpu.enqueue_dma source(%arg4 : memref<1xi32, #tpu.memory_space<hbm>>) target(%arg10 : memref<1xi32, #tpu.memory_space<vmem>>) target_semaphore(%run_scoped3A : memref<!tpu.dma_semaphore, #tpu.memory_space<semaphore_mem>>)
      tpu.wait_dma2 semaphore(%run_scoped3A : memref<!tpu.dma_semaphore, #tpu.memory_space<semaphore_mem>>) src(%arg4 : memref<1xi32, #tpu.memory_space<hbm>>) dst(%arg10 : memref<1xi32, #tpu.memory_space<vmem>>)
      tpu.yield
    }) : () -> ()
    %iota3A = tpu.iota {dimensions = array<i32: 0>} : vector<16xi32>
    %broadcast_in_dim3A = arith.constant 0 : i32
    %broadcast_in_dim3A_1 = vector.broadcast %broadcast_in_dim3A : i32 to vector<16xi32>
    %broadcast_in_dim3A_2 = arith.constant 1 : i32
    %broadcast_in_dim3A_3 = vector.broadcast %broadcast_in_dim3A_2 : i32 to vector<16xi32>
    %broadcast_in_dim3A_4 = arith.constant 15 : i32
    %broadcast_in_dim3A_5 = vector.broadcast %broadcast_in_dim3A_4 : i32 to vector<16xi32>
    %get3A = arith.constant 0 : index
    %get3A_6 = tpu.vector_load %arg9[%get3A] {strides = array<i32>} : memref<16xf32, #tpu.memory_space<vmem>>, vector<16xf32>,
    %eq3A = arith.constant 0 : i32
    %eq3A_7 = vector.broadcast %eq3A : i32 to vector<16xi32>
    %eq3A_8 = arith.cmpi eq, %iota3A, %eq3A_7 : vector<16xi32>
    %jit3A = arith.constant 0.000000e+00 : f32
    %broadcast_in_dim3A_9 = vector.broadcast %jit3A : f32 to vector<16xf32>
    %select_n3A = arith.select %eq3A_8, %get3A_6, %broadcast_in_dim3A_9 : vector<16xi1>, vector<16xf32>
    %reduce_max3A = arith.constant true
    %reduce_max3A_10 = vector.broadcast %reduce_max3A : i1 to vector<16xi1>
    %reduce_max3A_11 = tpu.scan <max>, %select_n3A masked %reduce_max3A_10 : vector<16xf32>, vector<16xi1> -> vector<16xf32>
    %reduce_max3A_12 = vector.extract %reduce_max3A_11[15] : f32 from vector<16xf32>
    %eq3A_13 = arith.constant 2 : i32
    %eq3A_14 = vector.broadcast %eq3A_13 : i32 to vector<16xi32>
    %eq3A_15 = arith.cmpi eq, %iota3A, %eq3A_14 : vector<16xi32>
    %jit3A_16 = arith.constant 0.000000e+00 : f32
    %broadcast_in_dim3A_17 = vector.broadcast %jit3A_16 : f32 to vector<16xf32>
    %select_n3A_18 = arith.select %eq3A_15, %get3A_6, %broadcast_in_dim3A_17 : vector<16xi1>, vector<16xf32>
    %reduce_max3A_19 = arith.constant true
    %reduce_max3A_20 = vector.broadcast %reduce_max3A_19 : i1 to vector<16xi1>
    %reduce_max3A_21 = tpu.scan <max>, %select_n3A_18 masked %reduce_max3A_20 : vector<16xf32>, vector<16xi1> -> vector<16xf32>
    %reduce_max3A_22 = vector.extract %reduce_max3A_21[15] : f32 from vector<16xf32>
    %eq3A_23 = arith.constant 0 : i32
    %eq3A_24 = arith.cmpi eq, %arg0, %eq3A_23 : i32
    %select_n3A_25 = arith.select %eq3A_24, %reduce_max3A_12, %reduce_max3A_22 : f32
    %broadcast_in_dim3A_26 = vector.broadcast %select_n3A_25 : f32 to vector<16xf32>
    %mul3A_27 = arith.constant 2.621430e+05 : f32
    %mul3A_28 = vector.broadcast %mul3A_27 : f32 to vector<16xf32>
    %mul3A_29 = arith.mulf %broadcast_in_dim3A_26, %mul3A_28 : vector<16xf32>
    %convert_element_type3A = arith.fptosi %mul3A_29 : vector<16xf32> to vector<16xi32>
    %convert_element_type3A_30 = arith.sitofp %convert_element_type3A : vector<16xi32> to vector<16xf32>
    %sub3A = arith.subf %mul3A_29, %convert_element_type3A_30 : vector<16xf32>
    %add3A = arith.constant 1 : i32
    %add3A_31 = vector.broadcast %add3A : i32 to vector<16xi32>
    %add3A_32 = arith.addi %convert_element_type3A, %add3A_31 : vector<16xi32>
    %min3A = arith.constant 262143 : i32
    %min3A_33 = vector.broadcast %min3A : i32 to vector<16xi32>
    %min3A_34 = arith.minsi %add3A_32, %min3A_33 : vector<16xi32>
    %parallel_loop3A = arith.constant 0 : i32
    %parallel_loop3A_35 = arith.constant 128 : i32
    %parallel_loop3A_36 = arith.constant 1 : i32
    scf.for %parallel_loop3A_264 = %parallel_loop3A to %parallel_loop3A_35 step %parallel_loop3A_36  : i32 {
      %parallel_loop3A_265 = arith.constant 16 : i32
      %parallel_loop3A_266 = arith.muli %parallel_loop3A_264, %parallel_loop3A_265 : i32
      %parallel_loop3A_267 = arith.constant 0 : i32
      %parallel_loop3A_268 = arith.addi %parallel_loop3A_267, %parallel_loop3A_266 : i32
      %parallel_loop3A_269 = arith.constant 0 : i32
      %parallel_loop3A_270 = arith.index_cast %parallel_loop3A_269 : i32 to index
      %parallel_loop3A_271 = arith.index_cast %parallel_loop3A_268 : i32 to index
      %parallel_loop3A_272 = tpu.vector_load %arg7[%parallel_loop3A_270, %parallel_loop3A_271] {strides = array<i32>} : memref<1x8192xi32, #tpu.memory_space<vmem>>, vector<16xi32>,
      tpu.vector_store %arg7[%parallel_loop3A_270, %parallel_loop3A_271], %broadcast_in_dim3A_1 {strides = array<i32>} : memref<1x8192xi32, #tpu.memory_space<vmem>>, vector<16xi32>,
      %parallel_loop3A_273 = arith.constant 16 : i32
      %parallel_loop3A_274 = arith.muli %parallel_loop3A_264, %parallel_loop3A_273 : i32
      %parallel_loop3A_275 = arith.constant 4096 : i32
      %parallel_loop3A_276 = arith.addi %parallel_loop3A_275, %parallel_loop3A_274 : i32
      %parallel_loop3A_277 = arith.constant 0 : i32
      %parallel_loop3A_278 = arith.index_cast %parallel_loop3A_277 : i32 to index
      %parallel_loop3A_279 = arith.index_cast %parallel_loop3A_276 : i32 to index
      %parallel_loop3A_280 = tpu.vector_load %arg7[%parallel_loop3A_278, %parallel_loop3A_279] {strides = array<i32>} : memref<1x8192xi32, #tpu.memory_space<vmem>>, vector<16xi32>,
      tpu.vector_store %arg7[%parallel_loop3A_278, %parallel_loop3A_279], %broadcast_in_dim3A_1 {strides = array<i32>} : memref<1x8192xi32, #tpu.memory_space<vmem>>, vector<16xi32>,
    } {sc.loop_unroll_factor = 4 : i64, sc.parallel_access}
    %parallel_loop3A_37 = arith.constant 0 : i32
    %parallel_loop3A_38 = arith.constant 256 : i32
    %parallel_loop3A_39 = arith.constant 1 : i32
    scf.for %parallel_loop3A_264 = %parallel_loop3A_37 to %parallel_loop3A_38 step %parallel_loop3A_39  : i32 {
      %parallel_loop3A_265 = arith.constant 16 : i32
      %parallel_loop3A_266 = arith.muli %parallel_loop3A_264, %parallel_loop3A_265 : i32
      %parallel_loop3A_267 = arith.constant 0 : i32
      %parallel_loop3A_268 = arith.index_cast %parallel_loop3A_267 : i32 to index
      %parallel_loop3A_269 = arith.index_cast %parallel_loop3A_266 : i32 to index
      %parallel_loop3A_270 = tpu.vector_load %arg8[%parallel_loop3A_268, %parallel_loop3A_269] {strides = array<i32>} : memref<1x4096xi32, #tpu.memory_space<vmem>>, vector<16xi32>,
      tpu.vector_store %arg8[%parallel_loop3A_268, %parallel_loop3A_269], %broadcast_in_dim3A_1 {strides = array<i32>} : memref<1x4096xi32, #tpu.memory_space<vmem>>, vector<16xi32>,
    } {sc.loop_unroll_factor = 8 : i64, sc.parallel_access}
    %eq3A_40 = arith.constant 0 : i32
    %eq3A_41 = arith.cmpi eq, %arg1, %eq3A_40 : i32
    %convert_element_type3A_42 = arith.extui %eq3A_41 : i1 to i32
    %cond3A = arith.constant 0 : i32
    %cond3A_43 = arith.cmpi ne, %convert_element_type3A_42, %cond3A : i32
    scf.if %cond3A_43 {
      "tpu.region"() ({
        %run_scoped3A = tpu.sem_alloc : memref<!tpu.dma_semaphore, #tpu.memory_space<semaphore_mem>>
        tpu.enqueue_dma source(%arg8 : memref<1x4096xi32, #tpu.memory_space<vmem>>) target(%arg12 : memref<1x4096xi32, #tpu.memory_space<vmem_shared>>) target_semaphore(%run_scoped3A : memref<!tpu.dma_semaphore, #tpu.memory_space<semaphore_mem>>)
        tpu.wait_dma2 semaphore(%run_scoped3A : memref<!tpu.dma_semaphore, #tpu.memory_space<semaphore_mem>>) src(%arg8 : memref<1x4096xi32, #tpu.memory_space<vmem>>) dst(%arg12 : memref<1x4096xi32, #tpu.memory_space<vmem_shared>>)
        tpu.yield
      }) : () -> ()
    } else {
    }
    %barrier3A = arith.constant 0 : index
    tpu.barrier barrier_id(%barrier3A)
    %parallel_loop3A_44 = arith.constant 0 : i32
    %parallel_loop3A_45 = arith.constant 1024 : i32
    %parallel_loop3A_46 = arith.constant 1 : i32
    scf.for %parallel_loop3A_264 = %parallel_loop3A_44 to %parallel_loop3A_45 step %parallel_loop3A_46  : i32 {
      %parallel_loop3A_265 = arith.constant 16 : i32
      %parallel_loop3A_266 = arith.muli %parallel_loop3A_264, %parallel_loop3A_265 : i32
      %parallel_loop3A_267 = arith.index_cast %parallel_loop3A_266 : i32 to index
      %parallel_loop3A_268 = tpu.vector_load %arg6[%parallel_loop3A_267] {strides = array<i32>} : memref<16384xf32, #tpu.memory_space<vmem>>, vector<16xf32>,
      %parallel_loop3A_269 = vector.bitcast %parallel_loop3A_268 : vector<16xf32> to vector<16xi32>
      %parallel_loop3A_270 = arith.constant 20 : i32
      %parallel_loop3A_271 = vector.broadcast %parallel_loop3A_270 : i32 to vector<16xi32>
      %parallel_loop3A_272 = arith.shrsi %parallel_loop3A_269, %parallel_loop3A_271 : vector<16xi32>
      %parallel_loop3A_273 = arith.constant 2 : i32
      %parallel_loop3A_274 = arith.constant 0 : i32
      %parallel_loop3A_275 = arith.cmpi eq, %parallel_loop3A_273, %parallel_loop3A_274 : i32
      %parallel_loop3A_276 = arith.constant 1 : i32
      %parallel_loop3A_277 = arith.select %parallel_loop3A_275, %parallel_loop3A_276, %parallel_loop3A_273 : i32
      %parallel_loop3A_278 = arith.remsi %parallel_loop3A_264, %parallel_loop3A_277 : i32
      %parallel_loop3A_279 = arith.constant 0 : i32
      %parallel_loop3A_280 = arith.cmpi ne, %parallel_loop3A_278, %parallel_loop3A_279 : i32
      %parallel_loop3A_281 = arith.constant 0 : i32
      %parallel_loop3A_282 = arith.cmpi slt, %parallel_loop3A_278, %parallel_loop3A_281 : i32
      %parallel_loop3A_283 = arith.constant 0 : i32
      %parallel_loop3A_284 = arith.cmpi slt, %parallel_loop3A_277, %parallel_loop3A_283 : i32
      %parallel_loop3A_285 = arith.xori %parallel_loop3A_282, %parallel_loop3A_284 : i1
      %parallel_loop3A_286 = arith.andi %parallel_loop3A_285, %parallel_loop3A_280 : i1
      %parallel_loop3A_287 = arith.addi %parallel_loop3A_278, %parallel_loop3A_277 : i32
      %parallel_loop3A_288 = arith.select %parallel_loop3A_286, %parallel_loop3A_287, %parallel_loop3A_278 : i32
      %parallel_loop3A_289 = arith.constant 4096 : i32
      %parallel_loop3A_290 = arith.muli %parallel_loop3A_288, %parallel_loop3A_289 : i32
      %parallel_loop3A_291 = vector.broadcast %parallel_loop3A_290 : i32 to vector<16xi32>
      %parallel_loop3A_292 = arith.addi %parallel_loop3A_291, %parallel_loop3A_272 : vector<16xi32>
      tpu.vector_store_idx %arg7[%broadcast_in_dim3A_1, %parallel_loop3A_292], %broadcast_in_dim3A_3 {add = true} : memref<1x8192xi32, #tpu.memory_space<vmem>>[vector<16xi32>, vector<16xi32>], vector<16xi32>,
    } {sc.loop_unroll_factor = 2 : i64, sc.parallel_access}
    %parallel_loop3A_47 = arith.constant 0 : i32
    %parallel_loop3A_48 = arith.constant 128 : i32
    %parallel_loop3A_49 = arith.constant 1 : i32
    scf.for %parallel_loop3A_264 = %parallel_loop3A_47 to %parallel_loop3A_48 step %parallel_loop3A_49  : i32 {
      %parallel_loop3A_265 = arith.constant 16 : i32
      %parallel_loop3A_266 = arith.muli %parallel_loop3A_264, %parallel_loop3A_265 : i32
      %parallel_loop3A_267 = arith.constant 0 : i32
      %parallel_loop3A_268 = arith.index_cast %parallel_loop3A_267 : i32 to index
      %parallel_loop3A_269 = arith.index_cast %parallel_loop3A_266 : i32 to index
      %parallel_loop3A_270 = tpu.vector_load %arg7[%parallel_loop3A_268, %parallel_loop3A_269] {strides = array<i32>} : memref<1x8192xi32, #tpu.memory_space<vmem>>, vector<16xi32>,
      %parallel_loop3A_271 = arith.constant 16 : i32
      %parallel_loop3A_272 = arith.muli %parallel_loop3A_264, %parallel_loop3A_271 : i32
      %parallel_loop3A_273 = arith.constant 4096 : i32
      %parallel_loop3A_274 = arith.addi %parallel_loop3A_273, %parallel_loop3A_272 : i32
      %parallel_loop3A_275 = arith.constant 0 : i32
      %parallel_loop3A_276 = arith.index_cast %parallel_loop3A_275 : i32 to index
      %parallel_loop3A_277 = arith.index_cast %parallel_loop3A_274 : i32 to index
      %parallel_loop3A_278 = tpu.vector_load %arg7[%parallel_loop3A_276, %parallel_loop3A_277] {strides = array<i32>} : memref<1x8192xi32, #tpu.memory_space<vmem>>, vector<16xi32>,
      %parallel_loop3A_279 = arith.addi %parallel_loop3A_270, %parallel_loop3A_278 : vector<16xi32>
      %parallel_loop3A_280 = arith.constant 16 : i32
      %parallel_loop3A_281 = arith.muli %parallel_loop3A_264, %parallel_loop3A_280 : i32
      %parallel_loop3A_282 = arith.constant 0 : i32
      %parallel_loop3A_283 = arith.index_cast %parallel_loop3A_282 : i32 to index
      %parallel_loop3A_284 = arith.index_cast %parallel_loop3A_281 : i32 to index
      %parallel_loop3A_285 = tpu.vector_load %arg8[%parallel_loop3A_283, %parallel_loop3A_284] {strides = array<i32>} : memref<1x4096xi32, #tpu.memory_space<vmem>>, vector<16xi32>,
      tpu.vector_store %arg8[%parallel_loop3A_283, %parallel_loop3A_284], %parallel_loop3A_279 {strides = array<i32>} : memref<1x4096xi32, #tpu.memory_space<vmem>>, vector<16xi32>,
    } {sc.loop_unroll_factor = 4 : i64, sc.parallel_access}
    "tpu.region"() ({
      %run_scoped3A = tpu.sem_alloc : memref<!tpu.dma_semaphore, #tpu.memory_space<semaphore_mem>>
      %dma_start3A = arith.constant 0 : i32
      %dma_start3A_264 = arith.constant 0 : i32
      %dma_start3A_265 = tpu.memref_slice %arg12[%dma_start3A, %dma_start3A_264] : memref<1x4096xi32, #tpu.memory_space<vmem_shared>> -> memref<1x4096xi32, #tpu.memory_space<vmem_shared>>
      tpu.enqueue_indirect_dma source(%arg8 : memref<1x4096xi32, #tpu.memory_space<vmem>>) target(%dma_start3A_265 : memref<1x4096xi32, #tpu.memory_space<vmem_shared>>) offsets(%arg10 : memref<1xi32, #tpu.memory_space<vmem>>) semaphore(%run_scoped3A : memref<!tpu.dma_semaphore, #tpu.memory_space<semaphore_mem>>) {add = true}
      %dma_wait3A = arith.constant 0 : i32
      %dma_wait3A_266 = arith.constant 0 : i32
      %dma_wait3A_267 = tpu.memref_slice %arg12[%dma_wait3A, %dma_wait3A_266] : memref<1x4096xi32, #tpu.memory_space<vmem_shared>> -> memref<1x4096xi32, #tpu.memory_space<vmem_shared>>
      tpu.wait_indirect_dma semaphore(%run_scoped3A : memref<!tpu.dma_semaphore, #tpu.memory_space<semaphore_mem>>) src(%arg8 : memref<1x4096xi32, #tpu.memory_space<vmem>>) dst(%dma_wait3A_267 : memref<1x4096xi32, #tpu.memory_space<vmem_shared>>)
      tpu.yield
    }) : () -> ()
    %barrier3A_50 = arith.constant 0 : index
    tpu.barrier barrier_id(%barrier3A_50)
    "tpu.region"() ({
      %run_scoped3A = tpu.sem_alloc : memref<!tpu.dma_semaphore, #tpu.memory_space<semaphore_mem>>
      tpu.enqueue_dma source(%arg12 : memref<1x4096xi32, #tpu.memory_space<vmem_shared>>) target(%arg8 : memref<1x4096xi32, #tpu.memory_space<vmem>>) target_semaphore(%run_scoped3A : memref<!tpu.dma_semaphore, #tpu.memory_space<semaphore_mem>>)
      tpu.wait_dma2 semaphore(%run_scoped3A : memref<!tpu.dma_semaphore, #tpu.memory_space<semaphore_mem>>) src(%arg12 : memref<1x4096xi32, #tpu.memory_space<vmem_shared>>) dst(%arg8 : memref<1x4096xi32, #tpu.memory_space<vmem>>)
      tpu.yield
    }) : () -> ()
    %barrier3A_51 = arith.constant 0 : index
    tpu.barrier barrier_id(%barrier3A_51)
    %scan3A = arith.constant 0 : i32
    %scan3A_52 = arith.constant 64 : i32
    %scan3A_53 = arith.addi %scan3A, %scan3A_52 : i32
    %scan3A_54 = arith.constant 8 : i32
    %scan3A_55 = scf.for %scan3A_264 = %scan3A to %scan3A_53 step %scan3A_54 iter_args(%scan3A_265 = %broadcast_in_dim3A_1) -> (vector<16xi32>)  : i32 {
      %mul3A_266 = arith.constant 16 : i32
      %mul3A_267 = arith.muli %scan3A_264, %mul3A_266 : i32
      %get3A_268 = arith.constant 0 : i32
      %get3A_269 = arith.index_cast %get3A_268 : i32 to index
      %get3A_270 = arith.index_cast %mul3A_267 : i32 to index
      %get3A_271 = tpu.vector_load %arg8[%get3A_269, %get3A_270] {strides = array<i32>} : memref<1x4096xi32, #tpu.memory_space<vmem>>, vector<16xi32>,
      %add3A_272 = arith.addi %scan3A_265, %get3A_271 : vector<16xi32>
      %scan3A_273 = arith.constant 1 : i32
      %scan3A_274 = arith.addi %scan3A_264, %scan3A_273 : i32
      %mul3A_275 = arith.constant 16 : i32
      %mul3A_276 = arith.muli %scan3A_274, %mul3A_275 : i32
      %get3A_277 = arith.constant 0 : i32
      %get3A_278 = arith.index_cast %get3A_277 : i32 to index
      %get3A_279 = arith.index_cast %mul3A_276 : i32 to index
      %get3A_280 = tpu.vector_load %arg8[%get3A_278, %get3A_279] {strides = array<i32>} : memref<1x4096xi32, #tpu.memory_space<vmem>>, vector<16xi32>,
      %add3A_281 = arith.addi %add3A_272, %get3A_280 : vector<16xi32>
      %scan3A_282 = arith.constant 2 : i32
      %scan3A_283 = arith.addi %scan3A_264, %scan3A_282 : i32
      %mul3A_284 = arith.constant 16 : i32
      %mul3A_285 = arith.muli %scan3A_283, %mul3A_284 : i32
      %get3A_286 = arith.constant 0 : i32
      %get3A_287 = arith.index_cast %get3A_286 : i32 to index
      %get3A_288 = arith.index_cast %mul3A_285 : i32 to index
      %get3A_289 = tpu.vector_load %arg8[%get3A_287, %get3A_288] {strides = array<i32>} : memref<1x4096xi32, #tpu.memory_space<vmem>>, vector<16xi32>,
      %add3A_290 = arith.addi %add3A_281, %get3A_289 : vector<16xi32>
      %scan3A_291 = arith.constant 3 : i32
      %scan3A_292 = arith.addi %scan3A_264, %scan3A_291 : i32
      %mul3A_293 = arith.constant 16 : i32
      %mul3A_294 = arith.muli %scan3A_292, %mul3A_293 : i32
      %get3A_295 = arith.constant 0 : i32
      %get3A_296 = arith.index_cast %get3A_295 : i32 to index
      %get3A_297 = arith.index_cast %mul3A_294 : i32 to index
      %get3A_298 = tpu.vector_load %arg8[%get3A_296, %get3A_297] {strides = array<i32>} : memref<1x4096xi32, #tpu.memory_space<vmem>>, vector<16xi32>,
      %add3A_299 = arith.addi %add3A_290, %get3A_298 : vector<16xi32>
      %scan3A_300 = arith.constant 4 : i32
      %scan3A_301 = arith.addi %scan3A_264, %scan3A_300 : i32
      %mul3A_302 = arith.constant 16 : i32
      %mul3A_303 = arith.muli %scan3A_301, %mul3A_302 : i32
      %get3A_304 = arith.constant 0 : i32
      %get3A_305 = arith.index_cast %get3A_304 : i32 to index
      %get3A_306 = arith.index_cast %mul3A_303 : i32 to index
      %get3A_307 = tpu.vector_load %arg8[%get3A_305, %get3A_306] {strides = array<i32>} : memref<1x4096xi32, #tpu.memory_space<vmem>>, vector<16xi32>,
      %add3A_308 = arith.addi %add3A_299, %get3A_307 : vector<16xi32>
      %scan3A_309 = arith.constant 5 : i32
      %scan3A_310 = arith.addi %scan3A_264, %scan3A_309 : i32
      %mul3A_311 = arith.constant 16 : i32
      %mul3A_312 = arith.muli %scan3A_310, %mul3A_311 : i32
      %get3A_313 = arith.constant 0 : i32
      %get3A_314 = arith.index_cast %get3A_313 : i32 to index
      %get3A_315 = arith.index_cast %mul3A_312 : i32 to index
      %get3A_316 = tpu.vector_load %arg8[%get3A_314, %get3A_315] {strides = array<i32>} : memref<1x4096xi32, #tpu.memory_space<vmem>>, vector<16xi32>,
      %add3A_317 = arith.addi %add3A_308, %get3A_316 : vector<16xi32>
      %scan3A_318 = arith.constant 6 : i32
      %scan3A_319 = arith.addi %scan3A_264, %scan3A_318 : i32
      %mul3A_320 = arith.constant 16 : i32
      %mul3A_321 = arith.muli %scan3A_319, %mul3A_320 : i32
      %get3A_322 = arith.constant 0 : i32
      %get3A_323 = arith.index_cast %get3A_322 : i32 to index
      %get3A_324 = arith.index_cast %mul3A_321 : i32 to index
      %get3A_325 = tpu.vector_load %arg8[%get3A_323, %get3A_324] {strides = array<i32>} : memref<1x4096xi32, #tpu.memory_space<vmem>>, vector<16xi32>,
      %add3A_326 = arith.addi %add3A_317, %get3A_325 : vector<16xi32>
      %scan3A_327 = arith.constant 7 : i32
      %scan3A_328 = arith.addi %scan3A_264, %scan3A_327 : i32
      %mul3A_329 = arith.constant 16 : i32
      %mul3A_330 = arith.muli %scan3A_328, %mul3A_329 : i32
      %get3A_331 = arith.constant 0 : i32
      %get3A_332 = arith.index_cast %get3A_331 : i32 to index
      %get3A_333 = arith.index_cast %mul3A_330 : i32 to index
      %get3A_334 = tpu.vector_load %arg8[%get3A_332, %get3A_333] {strides = array<i32>} : memref<1x4096xi32, #tpu.memory_space<vmem>>, vector<16xi32>,
      %add3A_335 = arith.addi %add3A_326, %get3A_334 : vector<16xi32>
      scf.yield %add3A_335 : vector<16xi32>
    }
    %scan3A_56 = arith.constant 64 : i32
    %reduce_sum3A = arith.constant true
    %reduce_sum3A_57 = vector.broadcast %reduce_sum3A : i1 to vector<16xi1>
    %reduce_sum3A_58 = tpu.scan <sum>, %scan3A_55 masked %reduce_sum3A_57 : vector<16xi32>, vector<16xi1> -> vector<16xi32>
    %reduce_sum3A_59 = vector.extract %reduce_sum3A_58[15] : i32 from vector<16xi32>
    %broadcast_in_dim3A_60 = vector.broadcast %reduce_sum3A_59 : i32 to vector<16xi32>
    %scan3A_61 = arith.constant 0 : i32
    %scan3A_62 = arith.constant 64 : i32
    %scan3A_63 = arith.addi %scan3A_61, %scan3A_62 : i32
    %scan3A_64 = arith.constant 2 : i32
    %scan3A_65:10 = scf.for %scan3A_264 = %scan3A_61 to %scan3A_63 step %scan3A_64 iter_args(%scan3A_265 = %broadcast_in_dim3A_1, %scan3A_266 = %broadcast_in_dim3A_1, %scan3A_267 = %broadcast_in_dim3A_1, %scan3A_268 = %broadcast_in_dim3A_1, %scan3A_269 = %broadcast_in_dim3A_1, %scan3A_270 = %broadcast_in_dim3A_60, %scan3A_271 = %broadcast_in_dim3A_1, %scan3A_272 = %broadcast_in_dim3A_1, %scan3A_273 = %broadcast_in_dim3A_1, %scan3A_274 = %broadcast_in_dim3A_1) -> (vector<16xi32>, vector<16xi32>, vector<16xi32>, vector<16xi32>, vector<16xi32>, vector<16xi32>, vector<16xi32>, vector<16xi32>, vector<16xi32>, vector<16xi32>)  : i32 {
      %mul3A_275 = arith.constant 16 : i32
      %mul3A_276 = arith.muli %scan3A_264, %mul3A_275 : i32
      %add3A_277 = arith.constant 0 : i32
      %add3A_278 = arith.addi %add3A_277, %mul3A_276 : i32
      %get3A_279 = arith.constant 0 : i32
      %get3A_280 = arith.index_cast %get3A_279 : i32 to index
      %get3A_281 = arith.index_cast %add3A_278 : i32 to index
      %get3A_282 = tpu.vector_load %arg8[%get3A_280, %get3A_281] {strides = array<i32>} : memref<1x4096xi32, #tpu.memory_space<vmem>>, vector<16xi32>,
      %broadcast_in_dim3A_283 = arith.constant true
      %broadcast_in_dim3A_284 = vector.broadcast %broadcast_in_dim3A_283 : i1 to vector<16xi1>
      %masked_cumsum3A = tpu.scan <sum>, %get3A_282 masked %broadcast_in_dim3A_284 : vector<16xi32>, vector<16xi1> -> vector<16xi32>
      %add3A_285 = arith.addi %masked_cumsum3A, %scan3A_265 : vector<16xi32>
      %broadcast_in_dim3A_286 = vector.shape_cast %broadcast_in_dim3A_5 : vector<16xi32> to vector<16x1xi32>
      %gather3A = vector.shape_cast %broadcast_in_dim3A_286 : vector<16x1xi32> to vector<16xi32>
      %gather3A_287 = tpu.dynamic_gather %add3A_285[%gather3A] in [0] : vector<16xi32>, vector<16xi32> -> vector<16xi32>
      %le3A = arith.cmpi sle, %add3A_285, %convert_element_type3A : vector<16xi32>
      %jit3A_288 = arith.constant 1 : i32
      %jit3A_289 = arith.constant 0 : i32
      %broadcast_in_dim3A_290 = vector.broadcast %jit3A_288 : i32 to vector<16xi32>
      %broadcast_in_dim3A_291 = vector.broadcast %jit3A_289 : i32 to vector<16xi32>
      %select_n3A_292 = arith.select %le3A, %broadcast_in_dim3A_290, %broadcast_in_dim3A_291 : vector<16xi1>, vector<16xi32>
      %add3A_293 = arith.addi %scan3A_266, %select_n3A_292 : vector<16xi32>
      %jit3A_294 = arith.constant 0 : i32
      %broadcast_in_dim3A_295 = vector.broadcast %jit3A_294 : i32 to vector<16xi32>
      %select_n3A_296 = arith.select %le3A, %add3A_285, %broadcast_in_dim3A_295 : vector<16xi1>, vector<16xi32>
      %max3A_297 = arith.maxsi %scan3A_267, %select_n3A_296 : vector<16xi32>
      %le3A_298 = arith.cmpi sle, %add3A_285, %min3A_34 : vector<16xi32>
      %jit3A_299 = arith.constant 1 : i32
      %jit3A_300 = arith.constant 0 : i32
      %broadcast_in_dim3A_301 = vector.broadcast %jit3A_299 : i32 to vector<16xi32>
      %broadcast_in_dim3A_302 = vector.broadcast %jit3A_300 : i32 to vector<16xi32>
      %select_n3A_303 = arith.select %le3A_298, %broadcast_in_dim3A_301, %broadcast_in_dim3A_302 : vector<16xi1>, vector<16xi32>
      %add3A_304 = arith.addi %scan3A_268, %select_n3A_303 : vector<16xi32>
      %jit3A_305 = arith.constant 0 : i32
      %broadcast_in_dim3A_306 = vector.broadcast %jit3A_305 : i32 to vector<16xi32>
      %select_n3A_307 = arith.select %le3A_298, %add3A_285, %broadcast_in_dim3A_306 : vector<16xi1>, vector<16xi32>
      %max3A_308 = arith.maxsi %scan3A_269, %select_n3A_307 : vector<16xi32>
      %mul3A_309 = arith.constant 16 : i32
      %mul3A_310 = arith.muli %scan3A_264, %mul3A_309 : i32
      %add3A_311 = arith.constant 1024 : i32
      %add3A_312 = arith.addi %add3A_311, %mul3A_310 : i32
      %get3A_313 = arith.constant 0 : i32
      %get3A_314 = arith.index_cast %get3A_313 : i32 to index
      %get3A_315 = arith.index_cast %add3A_312 : i32 to index
      %get3A_316 = tpu.vector_load %arg8[%get3A_314, %get3A_315] {strides = array<i32>} : memref<1x4096xi32, #tpu.memory_space<vmem>>, vector<16xi32>,
      %broadcast_in_dim3A_317 = arith.constant true
      %broadcast_in_dim3A_318 = vector.broadcast %broadcast_in_dim3A_317 : i1 to vector<16xi1>
      %masked_cumsum3A_319 = tpu.scan <sum>, %get3A_316 masked %broadcast_in_dim3A_318 : vector<16xi32>, vector<16xi1> -> vector<16xi32>
      %add3A_320 = arith.addi %masked_cumsum3A_319, %scan3A_270 : vector<16xi32>
      %broadcast_in_dim3A_321 = vector.shape_cast %broadcast_in_dim3A_5 : vector<16xi32> to vector<16x1xi32>
      %gather3A_322 = vector.shape_cast %broadcast_in_dim3A_321 : vector<16x1xi32> to vector<16xi32>
      %gather3A_323 = tpu.dynamic_gather %add3A_320[%gather3A_322] in [0] : vector<16xi32>, vector<16xi32> -> vector<16xi32>
      %le3A_324 = arith.cmpi sle, %add3A_320, %convert_element_type3A : vector<16xi32>
      %jit3A_325 = arith.constant 1 : i32
      %jit3A_326 = arith.constant 0 : i32
      %broadcast_in_dim3A_327 = vector.broadcast %jit3A_325 : i32 to vector<16xi32>
      %broadcast_in_dim3A_328 = vector.broadcast %jit3A_326 : i32 to vector<16xi32>
      %select_n3A_329 = arith.select %le3A_324, %broadcast_in_dim3A_327, %broadcast_in_dim3A_328 : vector<16xi1>, vector<16xi32>
      %add3A_330 = arith.addi %scan3A_271, %select_n3A_329 : vector<16xi32>
      %jit3A_331 = arith.constant 0 : i32
      %broadcast_in_dim3A_332 = vector.broadcast %jit3A_331 : i32 to vector<16xi32>
      %select_n3A_333 = arith.select %le3A_324, %add3A_320, %broadcast_in_dim3A_332 : vector<16xi1>, vector<16xi32>
      %max3A_334 = arith.maxsi %scan3A_272, %select_n3A_333 : vector<16xi32>
      %le3A_335 = arith.cmpi sle, %add3A_320, %min3A_34 : vector<16xi32>
      %jit3A_336 = arith.constant 1 : i32
      %jit3A_337 = arith.constant 0 : i32
      %broadcast_in_dim3A_338 = vector.broadcast %jit3A_336 : i32 to vector<16xi32>
      %broadcast_in_dim3A_339 = vector.broadcast %jit3A_337 : i32 to vector<16xi32>
      %select_n3A_340 = arith.select %le3A_335, %broadcast_in_dim3A_338, %broadcast_in_dim3A_339 : vector<16xi1>, vector<16xi32>
      %add3A_341 = arith.addi %scan3A_273, %select_n3A_340 : vector<16xi32>
      %jit3A_342 = arith.constant 0 : i32
      %broadcast_in_dim3A_343 = vector.broadcast %jit3A_342 : i32 to vector<16xi32>
      %select_n3A_344 = arith.select %le3A_335, %add3A_320, %broadcast_in_dim3A_343 : vector<16xi1>, vector<16xi32>
      %max3A_345 = arith.maxsi %scan3A_274, %select_n3A_344 : vector<16xi32>
      %scan3A_346 = arith.constant 1 : i32
      %scan3A_347 = arith.addi %scan3A_264, %scan3A_346 : i32
      %mul3A_348 = arith.constant 16 : i32
      %mul3A_349 = arith.muli %scan3A_347, %mul3A_348 : i32
      %add3A_350 = arith.constant 0 : i32
      %add3A_351 = arith.addi %add3A_350, %mul3A_349 : i32
      %get3A_352 = arith.constant 0 : i32
      %get3A_353 = arith.index_cast %get3A_352 : i32 to index
      %get3A_354 = arith.index_cast %add3A_351 : i32 to index
      %get3A_355 = tpu.vector_load %arg8[%get3A_353, %get3A_354] {strides = array<i32>} : memref<1x4096xi32, #tpu.memory_space<vmem>>, vector<16xi32>,
      %broadcast_in_dim3A_356 = arith.constant true
      %broadcast_in_dim3A_357 = vector.broadcast %broadcast_in_dim3A_356 : i1 to vector<16xi1>
      %masked_cumsum3A_358 = tpu.scan <sum>, %get3A_355 masked %broadcast_in_dim3A_357 : vector<16xi32>, vector<16xi1> -> vector<16xi32>
      %add3A_359 = arith.addi %masked_cumsum3A_358, %gather3A_287 : vector<16xi32>
      %broadcast_in_dim3A_360 = vector.shape_cast %broadcast_in_dim3A_5 : vector<16xi32> to vector<16x1xi32>
      %gather3A_361 = vector.shape_cast %broadcast_in_dim3A_360 : vector<16x1xi32> to vector<16xi32>
      %gather3A_362 = tpu.dynamic_gather %add3A_359[%gather3A_361] in [0] : vector<16xi32>, vector<16xi32> -> vector<16xi32>
      %le3A_363 = arith.cmpi sle, %add3A_359, %convert_element_type3A : vector<16xi32>
      %jit3A_364 = arith.constant 1 : i32
      %jit3A_365 = arith.constant 0 : i32
      %broadcast_in_dim3A_366 = vector.broadcast %jit3A_364 : i32 to vector<16xi32>
      %broadcast_in_dim3A_367 = vector.broadcast %jit3A_365 : i32 to vector<16xi32>
      %select_n3A_368 = arith.select %le3A_363, %broadcast_in_dim3A_366, %broadcast_in_dim3A_367 : vector<16xi1>, vector<16xi32>
      %add3A_369 = arith.addi %add3A_293, %select_n3A_368 : vector<16xi32>
      %jit3A_370 = arith.constant 0 : i32
      %broadcast_in_dim3A_371 = vector.broadcast %jit3A_370 : i32 to vector<16xi32>
      %select_n3A_372 = arith.select %le3A_363, %add3A_359, %broadcast_in_dim3A_371 : vector<16xi1>, vector<16xi32>
      %max3A_373 = arith.maxsi %max3A_297, %select_n3A_372 : vector<16xi32>
      %le3A_374 = arith.cmpi sle, %add3A_359, %min3A_34 : vector<16xi32>
      %jit3A_375 = arith.constant 1 : i32
      %jit3A_376 = arith.constant 0 : i32
      %broadcast_in_dim3A_377 = vector.broadcast %jit3A_375 : i32 to vector<16xi32>
      %broadcast_in_dim3A_378 = vector.broadcast %jit3A_376 : i32 to vector<16xi32>
      %select_n3A_379 = arith.select %le3A_374, %broadcast_in_dim3A_377, %broadcast_in_dim3A_378 : vector<16xi1>, vector<16xi32>
      %add3A_380 = arith.addi %add3A_304, %select_n3A_379 : vector<16xi32>
      %jit3A_381 = arith.constant 0 : i32
      %broadcast_in_dim3A_382 = vector.broadcast %jit3A_381 : i32 to vector<16xi32>
      %select_n3A_383 = arith.select %le3A_374, %add3A_359, %broadcast_in_dim3A_382 : vector<16xi1>, vector<16xi32>
      %max3A_384 = arith.maxsi %max3A_308, %select_n3A_383 : vector<16xi32>
      %mul3A_385 = arith.constant 16 : i32
      %mul3A_386 = arith.muli %scan3A_347, %mul3A_385 : i32
      %add3A_387 = arith.constant 1024 : i32
      %add3A_388 = arith.addi %add3A_387, %mul3A_386 : i32
      %get3A_389 = arith.constant 0 : i32
      %get3A_390 = arith.index_cast %get3A_389 : i32 to index
      %get3A_391 = arith.index_cast %add3A_388 : i32 to index
      %get3A_392 = tpu.vector_load %arg8[%get3A_390, %get3A_391] {strides = array<i32>} : memref<1x4096xi32, #tpu.memory_space<vmem>>, vector<16xi32>,
      %broadcast_in_dim3A_393 = arith.constant true
      %broadcast_in_dim3A_394 = vector.broadcast %broadcast_in_dim3A_393 : i1 to vector<16xi1>
      %masked_cumsum3A_395 = tpu.scan <sum>, %get3A_392 masked %broadcast_in_dim3A_394 : vector<16xi32>, vector<16xi1> -> vector<16xi32>
      %add3A_396 = arith.addi %masked_cumsum3A_395, %gather3A_323 : vector<16xi32>
      %broadcast_in_dim3A_397 = vector.shape_cast %broadcast_in_dim3A_5 : vector<16xi32> to vector<16x1xi32>
      %gather3A_398 = vector.shape_cast %broadcast_in_dim3A_397 : vector<16x1xi32> to vector<16xi32>
      %gather3A_399 = tpu.dynamic_gather %add3A_396[%gather3A_398] in [0] : vector<16xi32>, vector<16xi32> -> vector<16xi32>
      %le3A_400 = arith.cmpi sle, %add3A_396, %convert_element_type3A : vector<16xi32>
      %jit3A_401 = arith.constant 1 : i32
      %jit3A_402 = arith.constant 0 : i32
      %broadcast_in_dim3A_403 = vector.broadcast %jit3A_401 : i32 to vector<16xi32>
      %broadcast_in_dim3A_404 = vector.broadcast %jit3A_402 : i32 to vector<16xi32>
      %select_n3A_405 = arith.select %le3A_400, %broadcast_in_dim3A_403, %broadcast_in_dim3A_404 : vector<16xi1>, vector<16xi32>
      %add3A_406 = arith.addi %add3A_330, %select_n3A_405 : vector<16xi32>
      %jit3A_407 = arith.constant 0 : i32
      %broadcast_in_dim3A_408 = vector.broadcast %jit3A_407 : i32 to vector<16xi32>
      %select_n3A_409 = arith.select %le3A_400, %add3A_396, %broadcast_in_dim3A_408 : vector<16xi1>, vector<16xi32>
      %max3A_410 = arith.maxsi %max3A_334, %select_n3A_409 : vector<16xi32>
      %le3A_411 = arith.cmpi sle, %add3A_396, %min3A_34 : vector<16xi32>
      %jit3A_412 = arith.constant 1 : i32
      %jit3A_413 = arith.constant 0 : i32
      %broadcast_in_dim3A_414 = vector.broadcast %jit3A_412 : i32 to vector<16xi32>
      %broadcast_in_dim3A_415 = vector.broadcast %jit3A_413 : i32 to vector<16xi32>
      %select_n3A_416 = arith.select %le3A_411, %broadcast_in_dim3A_414, %broadcast_in_dim3A_415 : vector<16xi1>, vector<16xi32>
      %add3A_417 = arith.addi %add3A_341, %select_n3A_416 : vector<16xi32>
      %jit3A_418 = arith.constant 0 : i32
      %broadcast_in_dim3A_419 = vector.broadcast %jit3A_418 : i32 to vector<16xi32>
      %select_n3A_420 = arith.select %le3A_411, %add3A_396, %broadcast_in_dim3A_419 : vector<16xi1>, vector<16xi32>
      %max3A_421 = arith.maxsi %max3A_345, %select_n3A_420 : vector<16xi32>
      scf.yield %gather3A_362, %add3A_369, %max3A_373, %add3A_380, %max3A_384, %gather3A_399, %add3A_406, %max3A_410, %add3A_417, %max3A_421 : vector<16xi32>, vector<16xi32>, vector<16xi32>, vector<16xi32>, vector<16xi32>, vector<16xi32>, vector<16xi32>, vector<16xi32>, vector<16xi32>, vector<16xi32>
    }
    %scan3A_66 = arith.constant 64 : i32
    %reduce_sum3A_67 = arith.constant true
    %reduce_sum3A_68 = vector.broadcast %reduce_sum3A_67 : i1 to vector<16xi1>
    %reduce_sum3A_69 = tpu.scan <sum>, %scan3A_65#1 masked %reduce_sum3A_68 : vector<16xi32>, vector<16xi1> -> vector<16xi32>
    %reduce_sum3A_70 = vector.extract %reduce_sum3A_69[15] : i32 from vector<16xi32>
    %reduce_max3A_71 = arith.constant true
    %reduce_max3A_72 = vector.broadcast %reduce_max3A_71 : i1 to vector<16xi1>
    %reduce_max3A_73 = arith.constant -2147483648 : i32
    %reduce_max3A_74 = vector.broadcast %reduce_max3A_73 : i32 to vector<16xi32>
    %reduce_max3A_75 = arith.xori %scan3A_65#2, %reduce_max3A_74 : vector<16xi32>
    %reduce_max3A_76 = tpu.scan <max>, %reduce_max3A_75 masked %reduce_max3A_72 : vector<16xi32>, vector<16xi1> -> vector<16xi32>
    %reduce_max3A_77 = arith.xori %reduce_max3A_76, %reduce_max3A_74 : vector<16xi32>
    %reduce_max3A_78 = vector.extract %reduce_max3A_77[15] : i32 from vector<16xi32>
    %reduce_sum3A_79 = arith.constant true
    %reduce_sum3A_80 = vector.broadcast %reduce_sum3A_79 : i1 to vector<16xi1>
    %reduce_sum3A_81 = tpu.scan <sum>, %scan3A_65#3 masked %reduce_sum3A_80 : vector<16xi32>, vector<16xi1> -> vector<16xi32>
    %reduce_sum3A_82 = vector.extract %reduce_sum3A_81[15] : i32 from vector<16xi32>
    %reduce_max3A_83 = arith.constant true
    %reduce_max3A_84 = vector.broadcast %reduce_max3A_83 : i1 to vector<16xi1>
    %reduce_max3A_85 = arith.constant -2147483648 : i32
    %reduce_max3A_86 = vector.broadcast %reduce_max3A_85 : i32 to vector<16xi32>
    %reduce_max3A_87 = arith.xori %scan3A_65#4, %reduce_max3A_86 : vector<16xi32>
    %reduce_max3A_88 = tpu.scan <max>, %reduce_max3A_87 masked %reduce_max3A_84 : vector<16xi32>, vector<16xi1> -> vector<16xi32>
    %reduce_max3A_89 = arith.xori %reduce_max3A_88, %reduce_max3A_86 : vector<16xi32>
    %reduce_max3A_90 = vector.extract %reduce_max3A_89[15] : i32 from vector<16xi32>
    %reduce_sum3A_91 = arith.constant true
    %reduce_sum3A_92 = vector.broadcast %reduce_sum3A_91 : i1 to vector<16xi1>
    %reduce_sum3A_93 = tpu.scan <sum>, %scan3A_65#6 masked %reduce_sum3A_92 : vector<16xi32>, vector<16xi1> -> vector<16xi32>
    %reduce_sum3A_94 = vector.extract %reduce_sum3A_93[15] : i32 from vector<16xi32>
    %reduce_max3A_95 = arith.constant true
    %reduce_max3A_96 = vector.broadcast %reduce_max3A_95 : i1 to vector<16xi1>
    %reduce_max3A_97 = arith.constant -2147483648 : i32
    %reduce_max3A_98 = vector.broadcast %reduce_max3A_97 : i32 to vector<16xi32>
    %reduce_max3A_99 = arith.xori %scan3A_65#7, %reduce_max3A_98 : vector<16xi32>
    %reduce_max3A_100 = tpu.scan <max>, %reduce_max3A_99 masked %reduce_max3A_96 : vector<16xi32>, vector<16xi1> -> vector<16xi32>
    %reduce_max3A_101 = arith.xori %reduce_max3A_100, %reduce_max3A_98 : vector<16xi32>
    %reduce_max3A_102 = vector.extract %reduce_max3A_101[15] : i32 from vector<16xi32>
    %reduce_sum3A_103 = arith.constant true
    %reduce_sum3A_104 = vector.broadcast %reduce_sum3A_103 : i1 to vector<16xi1>
    %reduce_sum3A_105 = tpu.scan <sum>, %scan3A_65#8 masked %reduce_sum3A_104 : vector<16xi32>, vector<16xi1> -> vector<16xi32>
    %reduce_sum3A_106 = vector.extract %reduce_sum3A_105[15] : i32 from vector<16xi32>
    %reduce_max3A_107 = arith.constant true
    %reduce_max3A_108 = vector.broadcast %reduce_max3A_107 : i1 to vector<16xi1>
    %reduce_max3A_109 = arith.constant -2147483648 : i32
    %reduce_max3A_110 = vector.broadcast %reduce_max3A_109 : i32 to vector<16xi32>
    %reduce_max3A_111 = arith.xori %scan3A_65#9, %reduce_max3A_110 : vector<16xi32>
    %reduce_max3A_112 = tpu.scan <max>, %reduce_max3A_111 masked %reduce_max3A_108 : vector<16xi32>, vector<16xi1> -> vector<16xi32>
    %reduce_max3A_113 = arith.xori %reduce_max3A_112, %reduce_max3A_110 : vector<16xi32>
    %reduce_max3A_114 = vector.extract %reduce_max3A_113[15] : i32 from vector<16xi32>
    %add3A_115 = arith.addi %reduce_sum3A_70, %reduce_sum3A_94 : i32
    %max3A = arith.maxsi %reduce_max3A_78, %reduce_max3A_102 : i32
    %add3A_116 = arith.addi %reduce_sum3A_82, %reduce_sum3A_106 : i32
    %max3A_117 = arith.maxsi %reduce_max3A_90, %reduce_max3A_114 : i32
    %reduce_max3A_118 = arith.constant true
    %reduce_max3A_119 = vector.broadcast %reduce_max3A_118 : i1 to vector<16xi1>
    %reduce_max3A_120 = arith.constant -2147483648 : i32
    %reduce_max3A_121 = vector.broadcast %reduce_max3A_120 : i32 to vector<16xi32>
    %reduce_max3A_122 = arith.xori %convert_element_type3A, %reduce_max3A_121 : vector<16xi32>
    %reduce_max3A_123 = tpu.scan <max>, %reduce_max3A_122 masked %reduce_max3A_119 : vector<16xi32>, vector<16xi1> -> vector<16xi32>
    %reduce_max3A_124 = arith.xori %reduce_max3A_123, %reduce_max3A_121 : vector<16xi32>
    %reduce_max3A_125 = vector.extract %reduce_max3A_124[15] : i32 from vector<16xi32>
    %reduce_max3A_126 = arith.constant true
    %reduce_max3A_127 = vector.broadcast %reduce_max3A_126 : i1 to vector<16xi1>
    %reduce_max3A_128 = arith.constant -2147483648 : i32
    %reduce_max3A_129 = vector.broadcast %reduce_max3A_128 : i32 to vector<16xi32>
    %reduce_max3A_130 = arith.xori %min3A_34, %reduce_max3A_129 : vector<16xi32>
    %reduce_max3A_131 = tpu.scan <max>, %reduce_max3A_130 masked %reduce_max3A_127 : vector<16xi32>, vector<16xi1> -> vector<16xi32>
    %reduce_max3A_132 = arith.xori %reduce_max3A_131, %reduce_max3A_129 : vector<16xi32>
    %reduce_max3A_133 = vector.extract %reduce_max3A_132[15] : i32 from vector<16xi32>
    %sub3A_134 = arith.subi %reduce_max3A_125, %max3A : i32
    %broadcast_in_dim3A_135 = vector.broadcast %sub3A_134 : i32 to vector<16xi32>
    %sub3A_136 = arith.subi %reduce_max3A_133, %max3A_117 : i32
    %broadcast_in_dim3A_137 = vector.broadcast %sub3A_136 : i32 to vector<16xi32>
    %parallel_loop3A_138 = arith.constant 0 : i32
    %parallel_loop3A_139 = arith.constant 256 : i32
    %parallel_loop3A_140 = arith.constant 1 : i32
    scf.for %parallel_loop3A_264 = %parallel_loop3A_138 to %parallel_loop3A_139 step %parallel_loop3A_140  : i32 {
      %parallel_loop3A_265 = arith.constant 16 : i32
      %parallel_loop3A_266 = arith.muli %parallel_loop3A_264, %parallel_loop3A_265 : i32
      %parallel_loop3A_267 = arith.constant 0 : i32
      %parallel_loop3A_268 = arith.addi %parallel_loop3A_267, %parallel_loop3A_266 : i32
      %parallel_loop3A_269 = arith.constant 0 : i32
      %parallel_loop3A_270 = arith.index_cast %parallel_loop3A_269 : i32 to index
      %parallel_loop3A_271 = arith.index_cast %parallel_loop3A_268 : i32 to index
      %parallel_loop3A_272 = tpu.vector_load %arg7[%parallel_loop3A_270, %parallel_loop3A_271] {strides = array<i32>} : memref<1x8192xi32, #tpu.memory_space<vmem>>, vector<16xi32>,
      tpu.vector_store %arg7[%parallel_loop3A_270, %parallel_loop3A_271], %broadcast_in_dim3A_1 {strides = array<i32>} : memref<1x8192xi32, #tpu.memory_space<vmem>>, vector<16xi32>,
      %parallel_loop3A_273 = arith.constant 16 : i32
      %parallel_loop3A_274 = arith.muli %parallel_loop3A_264, %parallel_loop3A_273 : i32
      %parallel_loop3A_275 = arith.constant 4096 : i32
      %parallel_loop3A_276 = arith.addi %parallel_loop3A_275, %parallel_loop3A_274 : i32
      %parallel_loop3A_277 = arith.constant 0 : i32
      %parallel_loop3A_278 = arith.index_cast %parallel_loop3A_277 : i32 to index
      %parallel_loop3A_279 = arith.index_cast %parallel_loop3A_276 : i32 to index
      %parallel_loop3A_280 = tpu.vector_load %arg7[%parallel_loop3A_278, %parallel_loop3A_279] {strides = array<i32>} : memref<1x8192xi32, #tpu.memory_space<vmem>>, vector<16xi32>,
      tpu.vector_store %arg7[%parallel_loop3A_278, %parallel_loop3A_279], %broadcast_in_dim3A_1 {strides = array<i32>} : memref<1x8192xi32, #tpu.memory_space<vmem>>, vector<16xi32>,
    } {sc.loop_unroll_factor = 4 : i64, sc.parallel_access}
    %parallel_loop3A_141 = arith.constant 0 : i32
    %parallel_loop3A_142 = arith.constant 256 : i32
    %parallel_loop3A_143 = arith.constant 1 : i32
    scf.for %parallel_loop3A_264 = %parallel_loop3A_141 to %parallel_loop3A_142 step %parallel_loop3A_143  : i32 {
      %parallel_loop3A_265 = arith.constant 16 : i32
      %parallel_loop3A_266 = arith.muli %parallel_loop3A_264, %parallel_loop3A_265 : i32
      %parallel_loop3A_267 = arith.constant 0 : i32
      %parallel_loop3A_268 = arith.index_cast %parallel_loop3A_267 : i32 to index
      %parallel_loop3A_269 = arith.index_cast %parallel_loop3A_266 : i32 to index
      %parallel_loop3A_270 = tpu.vector_load %arg8[%parallel_loop3A_268, %parallel_loop3A_269] {strides = array<i32>} : memref<1x4096xi32, #tpu.memory_space<vmem>>, vector<16xi32>,
      tpu.vector_store %arg8[%parallel_loop3A_268, %parallel_loop3A_269], %broadcast_in_dim3A_1 {strides = array<i32>} : memref<1x4096xi32, #tpu.memory_space<vmem>>, vector<16xi32>,
    } {sc.loop_unroll_factor = 8 : i64, sc.parallel_access}
    %eq3A_144 = arith.constant 0 : i32
    %eq3A_145 = arith.cmpi eq, %arg1, %eq3A_144 : i32
    %convert_element_type3A_146 = arith.extui %eq3A_145 : i1 to i32
    %cond3A_147 = arith.constant 0 : i32
    %cond3A_148 = arith.cmpi ne, %convert_element_type3A_146, %cond3A_147 : i32
    scf.if %cond3A_148 {
      "tpu.region"() ({
        %run_scoped3A = tpu.sem_alloc : memref<!tpu.dma_semaphore, #tpu.memory_space<semaphore_mem>>
        tpu.enqueue_dma source(%arg8 : memref<1x4096xi32, #tpu.memory_space<vmem>>) target(%arg12 : memref<1x4096xi32, #tpu.memory_space<vmem_shared>>) target_semaphore(%run_scoped3A : memref<!tpu.dma_semaphore, #tpu.memory_space<semaphore_mem>>)
        tpu.wait_dma2 semaphore(%run_scoped3A : memref<!tpu.dma_semaphore, #tpu.memory_space<semaphore_mem>>) src(%arg8 : memref<1x4096xi32, #tpu.memory_space<vmem>>) dst(%arg12 : memref<1x4096xi32, #tpu.memory_space<vmem_shared>>)
        tpu.yield
      }) : () -> ()
    } else {
    }
    %barrier3A_149 = arith.constant 0 : index
    tpu.barrier barrier_id(%barrier3A_149)
    %parallel_loop3A_150 = arith.constant 0 : i32
    %parallel_loop3A_151 = arith.constant 1024 : i32
    %parallel_loop3A_152 = arith.constant 1 : i32
    scf.for %parallel_loop3A_264 = %parallel_loop3A_150 to %parallel_loop3A_151 step %parallel_loop3A_152  : i32 {
      %parallel_loop3A_265 = arith.constant 16 : i32
      %parallel_loop3A_266 = arith.muli %parallel_loop3A_264, %parallel_loop3A_265 : i32
      %parallel_loop3A_267 = arith.index_cast %parallel_loop3A_266 : i32 to index
      %parallel_loop3A_268 = tpu.vector_load %arg6[%parallel_loop3A_267] {strides = array<i32>} : memref<16384xf32, #tpu.memory_space<vmem>>, vector<16xf32>,
      %parallel_loop3A_269 = vector.bitcast %parallel_loop3A_268 : vector<16xf32> to vector<16xi32>
      %parallel_loop3A_270 = arith.constant 20 : i32
      %parallel_loop3A_271 = vector.broadcast %parallel_loop3A_270 : i32 to vector<16xi32>
      %parallel_loop3A_272 = arith.shrsi %parallel_loop3A_269, %parallel_loop3A_271 : vector<16xi32>
      %parallel_loop3A_273 = arith.constant 9 : i32
      %parallel_loop3A_274 = vector.broadcast %parallel_loop3A_273 : i32 to vector<16xi32>
      %parallel_loop3A_275 = arith.shrsi %parallel_loop3A_269, %parallel_loop3A_274 : vector<16xi32>
      %parallel_loop3A_276 = arith.constant 2047 : i32
      %parallel_loop3A_277 = vector.broadcast %parallel_loop3A_276 : i32 to vector<16xi32>
      %parallel_loop3A_278 = arith.andi %parallel_loop3A_275, %parallel_loop3A_277 : vector<16xi32>
      %parallel_loop3A_279 = arith.constant 2 : i32
      %parallel_loop3A_280 = arith.constant 0 : i32
      %parallel_loop3A_281 = arith.cmpi eq, %parallel_loop3A_279, %parallel_loop3A_280 : i32
      %parallel_loop3A_282 = arith.constant 1 : i32
      %parallel_loop3A_283 = arith.select %parallel_loop3A_281, %parallel_loop3A_282, %parallel_loop3A_279 : i32
      %parallel_loop3A_284 = arith.remsi %parallel_loop3A_264, %parallel_loop3A_283 : i32
      %parallel_loop3A_285 = arith.constant 0 : i32
      %parallel_loop3A_286 = arith.cmpi ne, %parallel_loop3A_284, %parallel_loop3A_285 : i32
      %parallel_loop3A_287 = arith.constant 0 : i32
      %parallel_loop3A_288 = arith.cmpi slt, %parallel_loop3A_284, %parallel_loop3A_287 : i32
      %parallel_loop3A_289 = arith.constant 0 : i32
      %parallel_loop3A_290 = arith.cmpi slt, %parallel_loop3A_283, %parallel_loop3A_289 : i32
      %parallel_loop3A_291 = arith.xori %parallel_loop3A_288, %parallel_loop3A_290 : i1
      %parallel_loop3A_292 = arith.andi %parallel_loop3A_291, %parallel_loop3A_286 : i1
      %parallel_loop3A_293 = arith.addi %parallel_loop3A_284, %parallel_loop3A_283 : i32
      %parallel_loop3A_294 = arith.select %parallel_loop3A_292, %parallel_loop3A_293, %parallel_loop3A_284 : i32
      %parallel_loop3A_295 = arith.constant 4096 : i32
      %parallel_loop3A_296 = arith.muli %parallel_loop3A_294, %parallel_loop3A_295 : i32
      %parallel_loop3A_297 = vector.broadcast %parallel_loop3A_296 : i32 to vector<16xi32>
      %parallel_loop3A_298 = arith.addi %parallel_loop3A_297, %parallel_loop3A_278 : vector<16xi32>
      %parallel_loop3A_299 = vector.broadcast %add3A_115 : i32 to vector<16xi32>
      %parallel_loop3A_300 = arith.cmpi eq, %parallel_loop3A_272, %parallel_loop3A_299 : vector<16xi32>
      tpu.vector_store_idx %arg7[%broadcast_in_dim3A_1, %parallel_loop3A_298], %broadcast_in_dim3A_3 masked %parallel_loop3A_300 {add = true} : memref<1x8192xi32, #tpu.memory_space<vmem>>[vector<16xi32>, vector<16xi32>], vector<16xi32>, vector<16xi1>
      %parallel_loop3A_301 = arith.constant 2048 : i32
      %parallel_loop3A_302 = arith.addi %parallel_loop3A_296, %parallel_loop3A_301 : i32
      %parallel_loop3A_303 = vector.broadcast %parallel_loop3A_302 : i32 to vector<16xi32>
      %parallel_loop3A_304 = arith.addi %parallel_loop3A_303, %parallel_loop3A_278 : vector<16xi32>
      %parallel_loop3A_305 = vector.broadcast %add3A_116 : i32 to vector<16xi32>
      %parallel_loop3A_306 = arith.cmpi eq, %parallel_loop3A_272, %parallel_loop3A_305 : vector<16xi32>
      tpu.vector_store_idx %arg7[%broadcast_in_dim3A_1, %parallel_loop3A_304], %broadcast_in_dim3A_3 masked %parallel_loop3A_306 {add = true} : memref<1x8192xi32, #tpu.memory_space<vmem>>[vector<16xi32>, vector<16xi32>], vector<16xi32>, vector<16xi1>
    } {sc.loop_unroll_factor = 2 : i64, sc.parallel_access}
    %parallel_loop3A_153 = arith.constant 0 : i32
    %parallel_loop3A_154 = arith.constant 256 : i32
    %parallel_loop3A_155 = arith.constant 1 : i32
    scf.for %parallel_loop3A_264 = %parallel_loop3A_153 to %parallel_loop3A_154 step %parallel_loop3A_155  : i32 {
      %parallel_loop3A_265 = arith.constant 16 : i32
      %parallel_loop3A_266 = arith.muli %parallel_loop3A_264, %parallel_loop3A_265 : i32
      %parallel_loop3A_267 = arith.constant 0 : i32
      %parallel_loop3A_268 = arith.index_cast %parallel_loop3A_267 : i32 to index
      %parallel_loop3A_269 = arith.index_cast %parallel_loop3A_266 : i32 to index
      %parallel_loop3A_270 = tpu.vector_load %arg7[%parallel_loop3A_268, %parallel_loop3A_269] {strides = array<i32>} : memref<1x8192xi32, #tpu.memory_space<vmem>>, vector<16xi32>,
      %parallel_loop3A_271 = arith.constant 16 : i32
      %parallel_loop3A_272 = arith.muli %parallel_loop3A_264, %parallel_loop3A_271 : i32
      %parallel_loop3A_273 = arith.constant 4096 : i32
      %parallel_loop3A_274 = arith.addi %parallel_loop3A_273, %parallel_loop3A_272 : i32
      %parallel_loop3A_275 = arith.constant 0 : i32
      %parallel_loop3A_276 = arith.index_cast %parallel_loop3A_275 : i32 to index
      %parallel_loop3A_277 = arith.index_cast %parallel_loop3A_274 : i32 to index
      %parallel_loop3A_278 = tpu.vector_load %arg7[%parallel_loop3A_276, %parallel_loop3A_277] {strides = array<i32>} : memref<1x8192xi32, #tpu.memory_space<vmem>>, vector<16xi32>,
      %parallel_loop3A_279 = arith.addi %parallel_loop3A_270, %parallel_loop3A_278 : vector<16xi32>
      %parallel_loop3A_280 = arith.constant 16 : i32
      %parallel_loop3A_281 = arith.muli %parallel_loop3A_264, %parallel_loop3A_280 : i32
      %parallel_loop3A_282 = arith.constant 0 : i32
      %parallel_loop3A_283 = arith.index_cast %parallel_loop3A_282 : i32 to index
      %parallel_loop3A_284 = arith.index_cast %parallel_loop3A_281 : i32 to index
      %parallel_loop3A_285 = tpu.vector_load %arg8[%parallel_loop3A_283, %parallel_loop3A_284] {strides = array<i32>} : memref<1x4096xi32, #tpu.memory_space<vmem>>, vector<16xi32>,
      tpu.vector_store %arg8[%parallel_loop3A_283, %parallel_loop3A_284], %parallel_loop3A_279 {strides = array<i32>} : memref<1x4096xi32, #tpu.memory_space<vmem>>, vector<16xi32>,
    } {sc.loop_unroll_factor = 4 : i64, sc.parallel_access}
    "tpu.region"() ({
      %run_scoped3A = tpu.sem_alloc : memref<!tpu.dma_semaphore, #tpu.memory_space<semaphore_mem>>
      %dma_start3A = arith.constant 0 : i32
      %dma_start3A_264 = arith.constant 0 : i32
      %dma_start3A_265 = tpu.memref_slice %arg12[%dma_start3A, %dma_start3A_264] : memref<1x4096xi32, #tpu.memory_space<vmem_shared>> -> memref<1x4096xi32, #tpu.memory_space<vmem_shared>>
      tpu.enqueue_indirect_dma source(%arg8 : memref<1x4096xi32, #tpu.memory_space<vmem>>) target(%dma_start3A_265 : memref<1x4096xi32, #tpu.memory_space<vmem_shared>>) offsets(%arg10 : memref<1xi32, #tpu.memory_space<vmem>>) semaphore(%run_scoped3A : memref<!tpu.dma_semaphore, #tpu.memory_space<semaphore_mem>>) {add = true}
      %dma_wait3A = arith.constant 0 : i32
      %dma_wait3A_266 = arith.constant 0 : i32
      %dma_wait3A_267 = tpu.memref_slice %arg12[%dma_wait3A, %dma_wait3A_266] : memref<1x4096xi32, #tpu.memory_space<vmem_shared>> -> memref<1x4096xi32, #tpu.memory_space<vmem_shared>>
      tpu.wait_indirect_dma semaphore(%run_scoped3A : memref<!tpu.dma_semaphore, #tpu.memory_space<semaphore_mem>>) src(%arg8 : memref<1x4096xi32, #tpu.memory_space<vmem>>) dst(%dma_wait3A_267 : memref<1x4096xi32, #tpu.memory_space<vmem_shared>>)
      tpu.yield
    }) : () -> ()
    %barrier3A_156 = arith.constant 0 : index
    tpu.barrier barrier_id(%barrier3A_156)
    "tpu.region"() ({
      %run_scoped3A = tpu.sem_alloc : memref<!tpu.dma_semaphore, #tpu.memory_space<semaphore_mem>>
      tpu.enqueue_dma source(%arg12 : memref<1x4096xi32, #tpu.memory_space<vmem_shared>>) target(%arg8 : memref<1x4096xi32, #tpu.memory_space<vmem>>) target_semaphore(%run_scoped3A : memref<!tpu.dma_semaphore, #tpu.memory_space<semaphore_mem>>)
      tpu.wait_dma2 semaphore(%run_scoped3A : memref<!tpu.dma_semaphore, #tpu.memory_space<semaphore_mem>>) src(%arg12 : memref<1x4096xi32, #tpu.memory_space<vmem_shared>>) dst(%arg8 : memref<1x4096xi32, #tpu.memory_space<vmem>>)
      tpu.yield
    }) : () -> ()
    %barrier3A_157 = arith.constant 0 : index
    tpu.barrier barrier_id(%barrier3A_157)
    %scan3A_158 = arith.constant 0 : i32
    %scan3A_159 = arith.constant 128 : i32
    %scan3A_160 = arith.addi %scan3A_158, %scan3A_159 : i32
    %scan3A_161 = arith.constant 2 : i32
    %scan3A_162:6 = scf.for %scan3A_264 = %scan3A_158 to %scan3A_160 step %scan3A_161 iter_args(%scan3A_265 = %broadcast_in_dim3A_1, %scan3A_266 = %broadcast_in_dim3A_1, %scan3A_267 = %broadcast_in_dim3A_1, %scan3A_268 = %broadcast_in_dim3A_1, %scan3A_269 = %broadcast_in_dim3A_1, %scan3A_270 = %broadcast_in_dim3A_1) -> (vector<16xi32>, vector<16xi32>, vector<16xi32>, vector<16xi32>, vector<16xi32>, vector<16xi32>)  : i32 {
      %mul3A_271 = arith.constant 16 : i32
      %mul3A_272 = arith.muli %scan3A_264, %mul3A_271 : i32
      %add3A_273 = arith.constant 0 : i32
      %add3A_274 = arith.addi %add3A_273, %mul3A_272 : i32
      %get3A_275 = arith.constant 0 : i32
      %get3A_276 = arith.index_cast %get3A_275 : i32 to index
      %get3A_277 = arith.index_cast %add3A_274 : i32 to index
      %get3A_278 = tpu.vector_load %arg8[%get3A_276, %get3A_277] {strides = array<i32>} : memref<1x4096xi32, #tpu.memory_space<vmem>>, vector<16xi32>,
      %broadcast_in_dim3A_279 = arith.constant true
      %broadcast_in_dim3A_280 = vector.broadcast %broadcast_in_dim3A_279 : i1 to vector<16xi1>
      %masked_cumsum3A = tpu.scan <sum>, %get3A_278 masked %broadcast_in_dim3A_280 : vector<16xi32>, vector<16xi1> -> vector<16xi32>
      %add3A_281 = arith.addi %masked_cumsum3A, %scan3A_265 : vector<16xi32>
      %broadcast_in_dim3A_282 = vector.shape_cast %broadcast_in_dim3A_5 : vector<16xi32> to vector<16x1xi32>
      %gather3A = vector.shape_cast %broadcast_in_dim3A_282 : vector<16x1xi32> to vector<16xi32>
      %gather3A_283 = tpu.dynamic_gather %add3A_281[%gather3A] in [0] : vector<16xi32>, vector<16xi32> -> vector<16xi32>
      %le3A = arith.cmpi sle, %add3A_281, %broadcast_in_dim3A_135 : vector<16xi32>
      %jit3A_284 = arith.constant 1 : i32
      %jit3A_285 = arith.constant 0 : i32
      %broadcast_in_dim3A_286 = vector.broadcast %jit3A_284 : i32 to vector<16xi32>
      %broadcast_in_dim3A_287 = vector.broadcast %jit3A_285 : i32 to vector<16xi32>
      %select_n3A_288 = arith.select %le3A, %broadcast_in_dim3A_286, %broadcast_in_dim3A_287 : vector<16xi1>, vector<16xi32>
      %add3A_289 = arith.addi %scan3A_266, %select_n3A_288 : vector<16xi32>
      %jit3A_290 = arith.constant 0 : i32
      %broadcast_in_dim3A_291 = vector.broadcast %jit3A_290 : i32 to vector<16xi32>
      %select_n3A_292 = arith.select %le3A, %add3A_281, %broadcast_in_dim3A_291 : vector<16xi1>, vector<16xi32>
      %max3A_293 = arith.maxsi %scan3A_267, %select_n3A_292 : vector<16xi32>
      %mul3A_294 = arith.constant 16 : i32
      %mul3A_295 = arith.muli %scan3A_264, %mul3A_294 : i32
      %add3A_296 = arith.constant 2048 : i32
      %add3A_297 = arith.addi %add3A_296, %mul3A_295 : i32
      %get3A_298 = arith.constant 0 : i32
      %get3A_299 = arith.index_cast %get3A_298 : i32 to index
      %get3A_300 = arith.index_cast %add3A_297 : i32 to index
      %get3A_301 = tpu.vector_load %arg8[%get3A_299, %get3A_300] {strides = array<i32>} : memref<1x4096xi32, #tpu.memory_space<vmem>>, vector<16xi32>,
      %broadcast_in_dim3A_302 = arith.constant true
      %broadcast_in_dim3A_303 = vector.broadcast %broadcast_in_dim3A_302 : i1 to vector<16xi1>
      %masked_cumsum3A_304 = tpu.scan <sum>, %get3A_301 masked %broadcast_in_dim3A_303 : vector<16xi32>, vector<16xi1> -> vector<16xi32>
      %add3A_305 = arith.addi %masked_cumsum3A_304, %scan3A_268 : vector<16xi32>
      %broadcast_in_dim3A_306 = vector.shape_cast %broadcast_in_dim3A_5 : vector<16xi32> to vector<16x1xi32>
      %gather3A_307 = vector.shape_cast %broadcast_in_dim3A_306 : vector<16x1xi32> to vector<16xi32>
      %gather3A_308 = tpu.dynamic_gather %add3A_305[%gather3A_307] in [0] : vector<16xi32>, vector<16xi32> -> vector<16xi32>
      %le3A_309 = arith.cmpi sle, %add3A_305, %broadcast_in_dim3A_137 : vector<16xi32>
      %jit3A_310 = arith.constant 1 : i32
      %jit3A_311 = arith.constant 0 : i32
      %broadcast_in_dim3A_312 = vector.broadcast %jit3A_310 : i32 to vector<16xi32>
      %broadcast_in_dim3A_313 = vector.broadcast %jit3A_311 : i32 to vector<16xi32>
      %select_n3A_314 = arith.select %le3A_309, %broadcast_in_dim3A_312, %broadcast_in_dim3A_313 : vector<16xi1>, vector<16xi32>
      %add3A_315 = arith.addi %scan3A_269, %select_n3A_314 : vector<16xi32>
      %jit3A_316 = arith.constant 0 : i32
      %broadcast_in_dim3A_317 = vector.broadcast %jit3A_316 : i32 to vector<16xi32>
      %select_n3A_318 = arith.select %le3A_309, %add3A_305, %broadcast_in_dim3A_317 : vector<16xi1>, vector<16xi32>
      %max3A_319 = arith.maxsi %scan3A_270, %select_n3A_318 : vector<16xi32>
      %scan3A_320 = arith.constant 1 : i32
      %scan3A_321 = arith.addi %scan3A_264, %scan3A_320 : i32
      %mul3A_322 = arith.constant 16 : i32
      %mul3A_323 = arith.muli %scan3A_321, %mul3A_322 : i32
      %add3A_324 = arith.constant 0 : i32
      %add3A_325 = arith.addi %add3A_324, %mul3A_323 : i32
      %get3A_326 = arith.constant 0 : i32
      %get3A_327 = arith.index_cast %get3A_326 : i32 to index
      %get3A_328 = arith.index_cast %add3A_325 : i32 to index
      %get3A_329 = tpu.vector_load %arg8[%get3A_327, %get3A_328] {strides = array<i32>} : memref<1x4096xi32, #tpu.memory_space<vmem>>, vector<16xi32>,
      %broadcast_in_dim3A_330 = arith.constant true
      %broadcast_in_dim3A_331 = vector.broadcast %broadcast_in_dim3A_330 : i1 to vector<16xi1>
      %masked_cumsum3A_332 = tpu.scan <sum>, %get3A_329 masked %broadcast_in_dim3A_331 : vector<16xi32>, vector<16xi1> -> vector<16xi32>
      %add3A_333 = arith.addi %masked_cumsum3A_332, %gather3A_283 : vector<16xi32>
      %broadcast_in_dim3A_334 = vector.shape_cast %broadcast_in_dim3A_5 : vector<16xi32> to vector<16x1xi32>
      %gather3A_335 = vector.shape_cast %broadcast_in_dim3A_334 : vector<16x1xi32> to vector<16xi32>
      %gather3A_336 = tpu.dynamic_gather %add3A_333[%gather3A_335] in [0] : vector<16xi32>, vector<16xi32> -> vector<16xi32>
      %le3A_337 = arith.cmpi sle, %add3A_333, %broadcast_in_dim3A_135 : vector<16xi32>
      %jit3A_338 = arith.constant 1 : i32
      %jit3A_339 = arith.constant 0 : i32
      %broadcast_in_dim3A_340 = vector.broadcast %jit3A_338 : i32 to vector<16xi32>
      %broadcast_in_dim3A_341 = vector.broadcast %jit3A_339 : i32 to vector<16xi32>
      %select_n3A_342 = arith.select %le3A_337, %broadcast_in_dim3A_340, %broadcast_in_dim3A_341 : vector<16xi1>, vector<16xi32>
      %add3A_343 = arith.addi %add3A_289, %select_n3A_342 : vector<16xi32>
      %jit3A_344 = arith.constant 0 : i32
      %broadcast_in_dim3A_345 = vector.broadcast %jit3A_344 : i32 to vector<16xi32>
      %select_n3A_346 = arith.select %le3A_337, %add3A_333, %broadcast_in_dim3A_345 : vector<16xi1>, vector<16xi32>
      %max3A_347 = arith.maxsi %max3A_293, %select_n3A_346 : vector<16xi32>
      %mul3A_348 = arith.constant 16 : i32
      %mul3A_349 = arith.muli %scan3A_321, %mul3A_348 : i32
      %add3A_350 = arith.constant 2048 : i32
      %add3A_351 = arith.addi %add3A_350, %mul3A_349 : i32
      %get3A_352 = arith.constant 0 : i32
      %get3A_353 = arith.index_cast %get3A_352 : i32 to index
      %get3A_354 = arith.index_cast %add3A_351 : i32 to index
      %get3A_355 = tpu.vector_load %arg8[%get3A_353, %get3A_354] {strides = array<i32>} : memref<1x4096xi32, #tpu.memory_space<vmem>>, vector<16xi32>,
      %broadcast_in_dim3A_356 = arith.constant true
      %broadcast_in_dim3A_357 = vector.broadcast %broadcast_in_dim3A_356 : i1 to vector<16xi1>
      %masked_cumsum3A_358 = tpu.scan <sum>, %get3A_355 masked %broadcast_in_dim3A_357 : vector<16xi32>, vector<16xi1> -> vector<16xi32>
      %add3A_359 = arith.addi %masked_cumsum3A_358, %gather3A_308 : vector<16xi32>
      %broadcast_in_dim3A_360 = vector.shape_cast %broadcast_in_dim3A_5 : vector<16xi32> to vector<16x1xi32>
      %gather3A_361 = vector.shape_cast %broadcast_in_dim3A_360 : vector<16x1xi32> to vector<16xi32>
      %gather3A_362 = tpu.dynamic_gather %add3A_359[%gather3A_361] in [0] : vector<16xi32>, vector<16xi32> -> vector<16xi32>
      %le3A_363 = arith.cmpi sle, %add3A_359, %broadcast_in_dim3A_137 : vector<16xi32>
      %jit3A_364 = arith.constant 1 : i32
      %jit3A_365 = arith.constant 0 : i32
      %broadcast_in_dim3A_366 = vector.broadcast %jit3A_364 : i32 to vector<16xi32>
      %broadcast_in_dim3A_367 = vector.broadcast %jit3A_365 : i32 to vector<16xi32>
      %select_n3A_368 = arith.select %le3A_363, %broadcast_in_dim3A_366, %broadcast_in_dim3A_367 : vector<16xi1>, vector<16xi32>
      %add3A_369 = arith.addi %add3A_315, %select_n3A_368 : vector<16xi32>
      %jit3A_370 = arith.constant 0 : i32
      %broadcast_in_dim3A_371 = vector.broadcast %jit3A_370 : i32 to vector<16xi32>
      %select_n3A_372 = arith.select %le3A_363, %add3A_359, %broadcast_in_dim3A_371 : vector<16xi1>, vector<16xi32>
      %max3A_373 = arith.maxsi %max3A_319, %select_n3A_372 : vector<16xi32>
      scf.yield %gather3A_336, %add3A_343, %max3A_347, %gather3A_362, %add3A_369, %max3A_373 : vector<16xi32>, vector<16xi32>, vector<16xi32>, vector<16xi32>, vector<16xi32>, vector<16xi32>
    }
    %scan3A_163 = arith.constant 128 : i32
    %reduce_sum3A_164 = arith.constant true
    %reduce_sum3A_165 = vector.broadcast %reduce_sum3A_164 : i1 to vector<16xi1>
    %reduce_sum3A_166 = tpu.scan <sum>, %scan3A_162#1 masked %reduce_sum3A_165 : vector<16xi32>, vector<16xi1> -> vector<16xi32>
    %reduce_sum3A_167 = vector.extract %reduce_sum3A_166[15] : i32 from vector<16xi32>
    %reduce_max3A_168 = arith.constant true
    %reduce_max3A_169 = vector.broadcast %reduce_max3A_168 : i1 to vector<16xi1>
    %reduce_max3A_170 = arith.constant -2147483648 : i32
    %reduce_max3A_171 = vector.broadcast %reduce_max3A_170 : i32 to vector<16xi32>
    %reduce_max3A_172 = arith.xori %scan3A_162#2, %reduce_max3A_171 : vector<16xi32>
    %reduce_max3A_173 = tpu.scan <max>, %reduce_max3A_172 masked %reduce_max3A_169 : vector<16xi32>, vector<16xi1> -> vector<16xi32>
    %reduce_max3A_174 = arith.xori %reduce_max3A_173, %reduce_max3A_171 : vector<16xi32>
    %reduce_max3A_175 = vector.extract %reduce_max3A_174[15] : i32 from vector<16xi32>
    %reduce_sum3A_176 = arith.constant true
    %reduce_sum3A_177 = vector.broadcast %reduce_sum3A_176 : i1 to vector<16xi1>
    %reduce_sum3A_178 = tpu.scan <sum>, %scan3A_162#4 masked %reduce_sum3A_177 : vector<16xi32>, vector<16xi1> -> vector<16xi32>
    %reduce_sum3A_179 = vector.extract %reduce_sum3A_178[15] : i32 from vector<16xi32>
    %reduce_max3A_180 = arith.constant true
    %reduce_max3A_181 = vector.broadcast %reduce_max3A_180 : i1 to vector<16xi1>
    %reduce_max3A_182 = arith.constant -2147483648 : i32
    %reduce_max3A_183 = vector.broadcast %reduce_max3A_182 : i32 to vector<16xi32>
    %reduce_max3A_184 = arith.xori %scan3A_162#5, %reduce_max3A_183 : vector<16xi32>
    %reduce_max3A_185 = tpu.scan <max>, %reduce_max3A_184 masked %reduce_max3A_181 : vector<16xi32>, vector<16xi1> -> vector<16xi32>
    %reduce_max3A_186 = arith.xori %reduce_max3A_185, %reduce_max3A_183 : vector<16xi32>
    %reduce_max3A_187 = vector.extract %reduce_max3A_186[15] : i32 from vector<16xi32>
    %sub3A_188 = vector.broadcast %reduce_max3A_175 : i32 to vector<16xi32>
    %sub3A_189 = arith.subi %broadcast_in_dim3A_135, %sub3A_188 : vector<16xi32>
    %sub3A_190 = vector.broadcast %reduce_max3A_187 : i32 to vector<16xi32>
    %sub3A_191 = arith.subi %broadcast_in_dim3A_137, %sub3A_190 : vector<16xi32>
    %parallel_loop3A_192 = arith.constant 0 : i32
    %parallel_loop3A_193 = arith.constant 256 : i32
    %parallel_loop3A_194 = arith.constant 1 : i32
    scf.for %parallel_loop3A_264 = %parallel_loop3A_192 to %parallel_loop3A_193 step %parallel_loop3A_194  : i32 {
      %parallel_loop3A_265 = arith.constant 16 : i32
      %parallel_loop3A_266 = arith.muli %parallel_loop3A_264, %parallel_loop3A_265 : i32
      %parallel_loop3A_267 = arith.constant 0 : i32
      %parallel_loop3A_268 = arith.addi %parallel_loop3A_267, %parallel_loop3A_266 : i32
      %parallel_loop3A_269 = arith.constant 0 : i32
      %parallel_loop3A_270 = arith.index_cast %parallel_loop3A_269 : i32 to index
      %parallel_loop3A_271 = arith.index_cast %parallel_loop3A_268 : i32 to index
      %parallel_loop3A_272 = tpu.vector_load %arg7[%parallel_loop3A_270, %parallel_loop3A_271] {strides = array<i32>} : memref<1x8192xi32, #tpu.memory_space<vmem>>, vector<16xi32>,
      tpu.vector_store %arg7[%parallel_loop3A_270, %parallel_loop3A_271], %broadcast_in_dim3A_1 {strides = array<i32>} : memref<1x8192xi32, #tpu.memory_space<vmem>>, vector<16xi32>,
      %parallel_loop3A_273 = arith.constant 16 : i32
      %parallel_loop3A_274 = arith.muli %parallel_loop3A_264, %parallel_loop3A_273 : i32
      %parallel_loop3A_275 = arith.constant 4096 : i32
      %parallel_loop3A_276 = arith.addi %parallel_loop3A_275, %parallel_loop3A_274 : i32
      %parallel_loop3A_277 = arith.constant 0 : i32
      %parallel_loop3A_278 = arith.index_cast %parallel_loop3A_277 : i32 to index
      %parallel_loop3A_279 = arith.index_cast %parallel_loop3A_276 : i32 to index
      %parallel_loop3A_280 = tpu.vector_load %arg7[%parallel_loop3A_278, %parallel_loop3A_279] {strides = array<i32>} : memref<1x8192xi32, #tpu.memory_space<vmem>>, vector<16xi32>,
      tpu.vector_store %arg7[%parallel_loop3A_278, %parallel_loop3A_279], %broadcast_in_dim3A_1 {strides = array<i32>} : memref<1x8192xi32, #tpu.memory_space<vmem>>, vector<16xi32>,
    } {sc.loop_unroll_factor = 4 : i64, sc.parallel_access}
    %parallel_loop3A_195 = arith.constant 0 : i32
    %parallel_loop3A_196 = arith.constant 256 : i32
    %parallel_loop3A_197 = arith.constant 1 : i32
    scf.for %parallel_loop3A_264 = %parallel_loop3A_195 to %parallel_loop3A_196 step %parallel_loop3A_197  : i32 {
      %parallel_loop3A_265 = arith.constant 16 : i32
      %parallel_loop3A_266 = arith.muli %parallel_loop3A_264, %parallel_loop3A_265 : i32
      %parallel_loop3A_267 = arith.constant 0 : i32
      %parallel_loop3A_268 = arith.index_cast %parallel_loop3A_267 : i32 to index
      %parallel_loop3A_269 = arith.index_cast %parallel_loop3A_266 : i32 to index
      %parallel_loop3A_270 = tpu.vector_load %arg8[%parallel_loop3A_268, %parallel_loop3A_269] {strides = array<i32>} : memref<1x4096xi32, #tpu.memory_space<vmem>>, vector<16xi32>,
      tpu.vector_store %arg8[%parallel_loop3A_268, %parallel_loop3A_269], %broadcast_in_dim3A_1 {strides = array<i32>} : memref<1x4096xi32, #tpu.memory_space<vmem>>, vector<16xi32>,
    } {sc.loop_unroll_factor = 8 : i64, sc.parallel_access}
    %eq3A_198 = arith.constant 0 : i32
    %eq3A_199 = arith.cmpi eq, %arg1, %eq3A_198 : i32
    %convert_element_type3A_200 = arith.extui %eq3A_199 : i1 to i32
    %cond3A_201 = arith.constant 0 : i32
    %cond3A_202 = arith.cmpi ne, %convert_element_type3A_200, %cond3A_201 : i32
    scf.if %cond3A_202 {
      "tpu.region"() ({
        %run_scoped3A = tpu.sem_alloc : memref<!tpu.dma_semaphore, #tpu.memory_space<semaphore_mem>>
        tpu.enqueue_dma source(%arg8 : memref<1x4096xi32, #tpu.memory_space<vmem>>) target(%arg12 : memref<1x4096xi32, #tpu.memory_space<vmem_shared>>) target_semaphore(%run_scoped3A : memref<!tpu.dma_semaphore, #tpu.memory_space<semaphore_mem>>)
        tpu.wait_dma2 semaphore(%run_scoped3A : memref<!tpu.dma_semaphore, #tpu.memory_space<semaphore_mem>>) src(%arg8 : memref<1x4096xi32, #tpu.memory_space<vmem>>) dst(%arg12 : memref<1x4096xi32, #tpu.memory_space<vmem_shared>>)
        tpu.yield
      }) : () -> ()
    } else {
    }
    %barrier3A_203 = arith.constant 0 : index
    tpu.barrier barrier_id(%barrier3A_203)
    %parallel_loop3A_204 = arith.constant 0 : i32
    %parallel_loop3A_205 = arith.constant 1024 : i32
    %parallel_loop3A_206 = arith.constant 1 : i32
    scf.for %parallel_loop3A_264 = %parallel_loop3A_204 to %parallel_loop3A_205 step %parallel_loop3A_206  : i32 {
      %parallel_loop3A_265 = arith.constant 16 : i32
      %parallel_loop3A_266 = arith.muli %parallel_loop3A_264, %parallel_loop3A_265 : i32
      %parallel_loop3A_267 = arith.index_cast %parallel_loop3A_266 : i32 to index
      %parallel_loop3A_268 = tpu.vector_load %arg6[%parallel_loop3A_267] {strides = array<i32>} : memref<16384xf32, #tpu.memory_space<vmem>>, vector<16xf32>,
      %parallel_loop3A_269 = vector.bitcast %parallel_loop3A_268 : vector<16xf32> to vector<16xi32>
      %parallel_loop3A_270 = arith.constant 20 : i32
      %parallel_loop3A_271 = vector.broadcast %parallel_loop3A_270 : i32 to vector<16xi32>
      %parallel_loop3A_272 = arith.shrsi %parallel_loop3A_269, %parallel_loop3A_271 : vector<16xi32>
      %parallel_loop3A_273 = arith.constant 9 : i32
      %parallel_loop3A_274 = vector.broadcast %parallel_loop3A_273 : i32 to vector<16xi32>
      %parallel_loop3A_275 = arith.shrsi %parallel_loop3A_269, %parallel_loop3A_274 : vector<16xi32>
      %parallel_loop3A_276 = arith.constant 2047 : i32
      %parallel_loop3A_277 = vector.broadcast %parallel_loop3A_276 : i32 to vector<16xi32>
      %parallel_loop3A_278 = arith.andi %parallel_loop3A_275, %parallel_loop3A_277 : vector<16xi32>
      %parallel_loop3A_279 = arith.constant 511 : i32
      %parallel_loop3A_280 = vector.broadcast %parallel_loop3A_279 : i32 to vector<16xi32>
      %parallel_loop3A_281 = arith.andi %parallel_loop3A_269, %parallel_loop3A_280 : vector<16xi32>
      %parallel_loop3A_282 = arith.constant 2 : i32
      %parallel_loop3A_283 = arith.constant 0 : i32
      %parallel_loop3A_284 = arith.cmpi eq, %parallel_loop3A_282, %parallel_loop3A_283 : i32
      %parallel_loop3A_285 = arith.constant 1 : i32
      %parallel_loop3A_286 = arith.select %parallel_loop3A_284, %parallel_loop3A_285, %parallel_loop3A_282 : i32
      %parallel_loop3A_287 = arith.remsi %parallel_loop3A_264, %parallel_loop3A_286 : i32
      %parallel_loop3A_288 = arith.constant 0 : i32
      %parallel_loop3A_289 = arith.cmpi ne, %parallel_loop3A_287, %parallel_loop3A_288 : i32
      %parallel_loop3A_290 = arith.constant 0 : i32
      %parallel_loop3A_291 = arith.cmpi slt, %parallel_loop3A_287, %parallel_loop3A_290 : i32
      %parallel_loop3A_292 = arith.constant 0 : i32
      %parallel_loop3A_293 = arith.cmpi slt, %parallel_loop3A_286, %parallel_loop3A_292 : i32
      %parallel_loop3A_294 = arith.xori %parallel_loop3A_291, %parallel_loop3A_293 : i1
      %parallel_loop3A_295 = arith.andi %parallel_loop3A_294, %parallel_loop3A_289 : i1
      %parallel_loop3A_296 = arith.addi %parallel_loop3A_287, %parallel_loop3A_286 : i32
      %parallel_loop3A_297 = arith.select %parallel_loop3A_295, %parallel_loop3A_296, %parallel_loop3A_287 : i32
      %parallel_loop3A_298 = arith.constant 4096 : i32
      %parallel_loop3A_299 = arith.muli %parallel_loop3A_297, %parallel_loop3A_298 : i32
      %parallel_loop3A_300 = vector.broadcast %parallel_loop3A_299 : i32 to vector<16xi32>
      %parallel_loop3A_301 = arith.addi %parallel_loop3A_300, %parallel_loop3A_281 : vector<16xi32>
      %parallel_loop3A_302 = vector.broadcast %add3A_115 : i32 to vector<16xi32>
      %parallel_loop3A_303 = arith.cmpi eq, %parallel_loop3A_272, %parallel_loop3A_302 : vector<16xi32>
      %parallel_loop3A_304 = vector.broadcast %reduce_sum3A_167 : i32 to vector<16xi32>
      %parallel_loop3A_305 = arith.cmpi eq, %parallel_loop3A_278, %parallel_loop3A_304 : vector<16xi32>
      %parallel_loop3A_306 = arith.andi %parallel_loop3A_303, %parallel_loop3A_305 : vector<16xi1>
      tpu.vector_store_idx %arg7[%broadcast_in_dim3A_1, %parallel_loop3A_301], %broadcast_in_dim3A_3 masked %parallel_loop3A_306 {add = true} : memref<1x8192xi32, #tpu.memory_space<vmem>>[vector<16xi32>, vector<16xi32>], vector<16xi32>, vector<16xi1>
      %parallel_loop3A_307 = arith.constant 2048 : i32
      %parallel_loop3A_308 = arith.addi %parallel_loop3A_299, %parallel_loop3A_307 : i32
      %parallel_loop3A_309 = vector.broadcast %parallel_loop3A_308 : i32 to vector<16xi32>
      %parallel_loop3A_310 = arith.addi %parallel_loop3A_309, %parallel_loop3A_281 : vector<16xi32>
      %parallel_loop3A_311 = vector.broadcast %add3A_116 : i32 to vector<16xi32>
      %parallel_loop3A_312 = arith.cmpi eq, %parallel_loop3A_272, %parallel_loop3A_311 : vector<16xi32>
      %parallel_loop3A_313 = vector.broadcast %reduce_sum3A_179 : i32 to vector<16xi32>
      %parallel_loop3A_314 = arith.cmpi eq, %parallel_loop3A_278, %parallel_loop3A_313 : vector<16xi32>
      %parallel_loop3A_315 = arith.andi %parallel_loop3A_312, %parallel_loop3A_314 : vector<16xi1>
      tpu.vector_store_idx %arg7[%broadcast_in_dim3A_1, %parallel_loop3A_310], %broadcast_in_dim3A_3 masked %parallel_loop3A_315 {add = true} : memref<1x8192xi32, #tpu.memory_space<vmem>>[vector<16xi32>, vector<16xi32>], vector<16xi32>, vector<16xi1>
    } {sc.loop_unroll_factor = 2 : i64, sc.parallel_access}
    %parallel_loop3A_207 = arith.constant 0 : i32
    %parallel_loop3A_208 = arith.constant 256 : i32
    %parallel_loop3A_209 = arith.constant 1 : i32
    scf.for %parallel_loop3A_264 = %parallel_loop3A_207 to %parallel_loop3A_208 step %parallel_loop3A_209  : i32 {
      %parallel_loop3A_265 = arith.constant 16 : i32
      %parallel_loop3A_266 = arith.muli %parallel_loop3A_264, %parallel_loop3A_265 : i32
      %parallel_loop3A_267 = arith.constant 0 : i32
      %parallel_loop3A_268 = arith.index_cast %parallel_loop3A_267 : i32 to index
      %parallel_loop3A_269 = arith.index_cast %parallel_loop3A_266 : i32 to index
      %parallel_loop3A_270 = tpu.vector_load %arg7[%parallel_loop3A_268, %parallel_loop3A_269] {strides = array<i32>} : memref<1x8192xi32, #tpu.memory_space<vmem>>, vector<16xi32>,
      %parallel_loop3A_271 = arith.constant 16 : i32
      %parallel_loop3A_272 = arith.muli %parallel_loop3A_264, %parallel_loop3A_271 : i32
      %parallel_loop3A_273 = arith.constant 4096 : i32
      %parallel_loop3A_274 = arith.addi %parallel_loop3A_273, %parallel_loop3A_272 : i32
      %parallel_loop3A_275 = arith.constant 0 : i32
      %parallel_loop3A_276 = arith.index_cast %parallel_loop3A_275 : i32 to index
      %parallel_loop3A_277 = arith.index_cast %parallel_loop3A_274 : i32 to index
      %parallel_loop3A_278 = tpu.vector_load %arg7[%parallel_loop3A_276, %parallel_loop3A_277] {strides = array<i32>} : memref<1x8192xi32, #tpu.memory_space<vmem>>, vector<16xi32>,
      %parallel_loop3A_279 = arith.addi %parallel_loop3A_270, %parallel_loop3A_278 : vector<16xi32>
      %parallel_loop3A_280 = arith.constant 16 : i32
      %parallel_loop3A_281 = arith.muli %parallel_loop3A_264, %parallel_loop3A_280 : i32
      %parallel_loop3A_282 = arith.constant 0 : i32
      %parallel_loop3A_283 = arith.index_cast %parallel_loop3A_282 : i32 to index
      %parallel_loop3A_284 = arith.index_cast %parallel_loop3A_281 : i32 to index
      %parallel_loop3A_285 = tpu.vector_load %arg8[%parallel_loop3A_283, %parallel_loop3A_284] {strides = array<i32>} : memref<1x4096xi32, #tpu.memory_space<vmem>>, vector<16xi32>,
      tpu.vector_store %arg8[%parallel_loop3A_283, %parallel_loop3A_284], %parallel_loop3A_279 {strides = array<i32>} : memref<1x4096xi32, #tpu.memory_space<vmem>>, vector<16xi32>,
    } {sc.loop_unroll_factor = 4 : i64, sc.parallel_access}
    "tpu.region"() ({
      %run_scoped3A = tpu.sem_alloc : memref<!tpu.dma_semaphore, #tpu.memory_space<semaphore_mem>>
      %dma_start3A = arith.constant 0 : i32
      %dma_start3A_264 = arith.constant 0 : i32
      %dma_start3A_265 = tpu.memref_slice %arg12[%dma_start3A, %dma_start3A_264] : memref<1x4096xi32, #tpu.memory_space<vmem_shared>> -> memref<1x4096xi32, #tpu.memory_space<vmem_shared>>
      tpu.enqueue_indirect_dma source(%arg8 : memref<1x4096xi32, #tpu.memory_space<vmem>>) target(%dma_start3A_265 : memref<1x4096xi32, #tpu.memory_space<vmem_shared>>) offsets(%arg10 : memref<1xi32, #tpu.memory_space<vmem>>) semaphore(%run_scoped3A : memref<!tpu.dma_semaphore, #tpu.memory_space<semaphore_mem>>) {add = true}
      %dma_wait3A = arith.constant 0 : i32
      %dma_wait3A_266 = arith.constant 0 : i32
      %dma_wait3A_267 = tpu.memref_slice %arg12[%dma_wait3A, %dma_wait3A_266] : memref<1x4096xi32, #tpu.memory_space<vmem_shared>> -> memref<1x4096xi32, #tpu.memory_space<vmem_shared>>
      tpu.wait_indirect_dma semaphore(%run_scoped3A : memref<!tpu.dma_semaphore, #tpu.memory_space<semaphore_mem>>) src(%arg8 : memref<1x4096xi32, #tpu.memory_space<vmem>>) dst(%dma_wait3A_267 : memref<1x4096xi32, #tpu.memory_space<vmem_shared>>)
      tpu.yield
    }) : () -> ()
    %barrier3A_210 = arith.constant 0 : index
    tpu.barrier barrier_id(%barrier3A_210)
    "tpu.region"() ({
      %run_scoped3A = tpu.sem_alloc : memref<!tpu.dma_semaphore, #tpu.memory_space<semaphore_mem>>
      tpu.enqueue_dma source(%arg12 : memref<1x4096xi32, #tpu.memory_space<vmem_shared>>) target(%arg8 : memref<1x4096xi32, #tpu.memory_space<vmem>>) target_semaphore(%run_scoped3A : memref<!tpu.dma_semaphore, #tpu.memory_space<semaphore_mem>>)
      tpu.wait_dma2 semaphore(%run_scoped3A : memref<!tpu.dma_semaphore, #tpu.memory_space<semaphore_mem>>) src(%arg12 : memref<1x4096xi32, #tpu.memory_space<vmem_shared>>) dst(%arg8 : memref<1x4096xi32, #tpu.memory_space<vmem>>)
      tpu.yield
    }) : () -> ()
    %barrier3A_211 = arith.constant 0 : index
    tpu.barrier barrier_id(%barrier3A_211)
    %scan3A_212 = arith.constant 0 : i32
    %scan3A_213 = arith.constant 32 : i32
    %scan3A_214 = arith.addi %scan3A_212, %scan3A_213 : i32
    %scan3A_215 = arith.constant 2 : i32
    %scan3A_216:6 = scf.for %scan3A_264 = %scan3A_212 to %scan3A_214 step %scan3A_215 iter_args(%scan3A_265 = %broadcast_in_dim3A_1, %scan3A_266 = %broadcast_in_dim3A_1, %scan3A_267 = %broadcast_in_dim3A_1, %scan3A_268 = %broadcast_in_dim3A_1, %scan3A_269 = %broadcast_in_dim3A_1, %scan3A_270 = %broadcast_in_dim3A_1) -> (vector<16xi32>, vector<16xi32>, vector<16xi32>, vector<16xi32>, vector<16xi32>, vector<16xi32>)  : i32 {
      %mul3A_271 = arith.constant 16 : i32
      %mul3A_272 = arith.muli %scan3A_264, %mul3A_271 : i32
      %add3A_273 = arith.constant 0 : i32
      %add3A_274 = arith.addi %add3A_273, %mul3A_272 : i32
      %get3A_275 = arith.constant 0 : i32
      %get3A_276 = arith.index_cast %get3A_275 : i32 to index
      %get3A_277 = arith.index_cast %add3A_274 : i32 to index
      %get3A_278 = tpu.vector_load %arg8[%get3A_276, %get3A_277] {strides = array<i32>} : memref<1x4096xi32, #tpu.memory_space<vmem>>, vector<16xi32>,
      %broadcast_in_dim3A_279 = arith.constant true
      %broadcast_in_dim3A_280 = vector.broadcast %broadcast_in_dim3A_279 : i1 to vector<16xi1>
      %masked_cumsum3A = tpu.scan <sum>, %get3A_278 masked %broadcast_in_dim3A_280 : vector<16xi32>, vector<16xi1> -> vector<16xi32>
      %add3A_281 = arith.addi %masked_cumsum3A, %scan3A_265 : vector<16xi32>
      %broadcast_in_dim3A_282 = vector.shape_cast %broadcast_in_dim3A_5 : vector<16xi32> to vector<16x1xi32>
      %gather3A = vector.shape_cast %broadcast_in_dim3A_282 : vector<16x1xi32> to vector<16xi32>
      %gather3A_283 = tpu.dynamic_gather %add3A_281[%gather3A] in [0] : vector<16xi32>, vector<16xi32> -> vector<16xi32>
      %le3A = arith.cmpi sle, %add3A_281, %sub3A_189 : vector<16xi32>
      %jit3A_284 = arith.constant 1 : i32
      %jit3A_285 = arith.constant 0 : i32
      %broadcast_in_dim3A_286 = vector.broadcast %jit3A_284 : i32 to vector<16xi32>
      %broadcast_in_dim3A_287 = vector.broadcast %jit3A_285 : i32 to vector<16xi32>
      %select_n3A_288 = arith.select %le3A, %broadcast_in_dim3A_286, %broadcast_in_dim3A_287 : vector<16xi1>, vector<16xi32>
      %add3A_289 = arith.addi %scan3A_266, %select_n3A_288 : vector<16xi32>
      %jit3A_290 = arith.constant 0 : i32
      %broadcast_in_dim3A_291 = vector.broadcast %jit3A_290 : i32 to vector<16xi32>
      %select_n3A_292 = arith.select %le3A, %add3A_281, %broadcast_in_dim3A_291 : vector<16xi1>, vector<16xi32>
      %max3A_293 = arith.maxsi %scan3A_267, %select_n3A_292 : vector<16xi32>
      %mul3A_294 = arith.constant 16 : i32
      %mul3A_295 = arith.muli %scan3A_264, %mul3A_294 : i32
      %add3A_296 = arith.constant 2048 : i32
      %add3A_297 = arith.addi %add3A_296, %mul3A_295 : i32
      %get3A_298 = arith.constant 0 : i32
      %get3A_299 = arith.index_cast %get3A_298 : i32 to index
      %get3A_300 = arith.index_cast %add3A_297 : i32 to index
      %get3A_301 = tpu.vector_load %arg8[%get3A_299, %get3A_300] {strides = array<i32>} : memref<1x4096xi32, #tpu.memory_space<vmem>>, vector<16xi32>,
      %broadcast_in_dim3A_302 = arith.constant true
      %broadcast_in_dim3A_303 = vector.broadcast %broadcast_in_dim3A_302 : i1 to vector<16xi1>
      %masked_cumsum3A_304 = tpu.scan <sum>, %get3A_301 masked %broadcast_in_dim3A_303 : vector<16xi32>, vector<16xi1> -> vector<16xi32>
      %add3A_305 = arith.addi %masked_cumsum3A_304, %scan3A_268 : vector<16xi32>
      %broadcast_in_dim3A_306 = vector.shape_cast %broadcast_in_dim3A_5 : vector<16xi32> to vector<16x1xi32>
      %gather3A_307 = vector.shape_cast %broadcast_in_dim3A_306 : vector<16x1xi32> to vector<16xi32>
      %gather3A_308 = tpu.dynamic_gather %add3A_305[%gather3A_307] in [0] : vector<16xi32>, vector<16xi32> -> vector<16xi32>
      %le3A_309 = arith.cmpi sle, %add3A_305, %sub3A_191 : vector<16xi32>
      %jit3A_310 = arith.constant 1 : i32
      %jit3A_311 = arith.constant 0 : i32
      %broadcast_in_dim3A_312 = vector.broadcast %jit3A_310 : i32 to vector<16xi32>
      %broadcast_in_dim3A_313 = vector.broadcast %jit3A_311 : i32 to vector<16xi32>
      %select_n3A_314 = arith.select %le3A_309, %broadcast_in_dim3A_312, %broadcast_in_dim3A_313 : vector<16xi1>, vector<16xi32>
      %add3A_315 = arith.addi %scan3A_269, %select_n3A_314 : vector<16xi32>
      %jit3A_316 = arith.constant 0 : i32
      %broadcast_in_dim3A_317 = vector.broadcast %jit3A_316 : i32 to vector<16xi32>
      %select_n3A_318 = arith.select %le3A_309, %add3A_305, %broadcast_in_dim3A_317 : vector<16xi1>, vector<16xi32>
      %max3A_319 = arith.maxsi %scan3A_270, %select_n3A_318 : vector<16xi32>
      %scan3A_320 = arith.constant 1 : i32
      %scan3A_321 = arith.addi %scan3A_264, %scan3A_320 : i32
      %mul3A_322 = arith.constant 16 : i32
      %mul3A_323 = arith.muli %scan3A_321, %mul3A_322 : i32
      %add3A_324 = arith.constant 0 : i32
      %add3A_325 = arith.addi %add3A_324, %mul3A_323 : i32
      %get3A_326 = arith.constant 0 : i32
      %get3A_327 = arith.index_cast %get3A_326 : i32 to index
      %get3A_328 = arith.index_cast %add3A_325 : i32 to index
      %get3A_329 = tpu.vector_load %arg8[%get3A_327, %get3A_328] {strides = array<i32>} : memref<1x4096xi32, #tpu.memory_space<vmem>>, vector<16xi32>,
      %broadcast_in_dim3A_330 = arith.constant true
      %broadcast_in_dim3A_331 = vector.broadcast %broadcast_in_dim3A_330 : i1 to vector<16xi1>
      %masked_cumsum3A_332 = tpu.scan <sum>, %get3A_329 masked %broadcast_in_dim3A_331 : vector<16xi32>, vector<16xi1> -> vector<16xi32>
      %add3A_333 = arith.addi %masked_cumsum3A_332, %gather3A_283 : vector<16xi32>
      %broadcast_in_dim3A_334 = vector.shape_cast %broadcast_in_dim3A_5 : vector<16xi32> to vector<16x1xi32>
      %gather3A_335 = vector.shape_cast %broadcast_in_dim3A_334 : vector<16x1xi32> to vector<16xi32>
      %gather3A_336 = tpu.dynamic_gather %add3A_333[%gather3A_335] in [0] : vector<16xi32>, vector<16xi32> -> vector<16xi32>
      %le3A_337 = arith.cmpi sle, %add3A_333, %sub3A_189 : vector<16xi32>
      %jit3A_338 = arith.constant 1 : i32
      %jit3A_339 = arith.constant 0 : i32
      %broadcast_in_dim3A_340 = vector.broadcast %jit3A_338 : i32 to vector<16xi32>
      %broadcast_in_dim3A_341 = vector.broadcast %jit3A_339 : i32 to vector<16xi32>
      %select_n3A_342 = arith.select %le3A_337, %broadcast_in_dim3A_340, %broadcast_in_dim3A_341 : vector<16xi1>, vector<16xi32>
      %add3A_343 = arith.addi %add3A_289, %select_n3A_342 : vector<16xi32>
      %jit3A_344 = arith.constant 0 : i32
      %broadcast_in_dim3A_345 = vector.broadcast %jit3A_344 : i32 to vector<16xi32>
      %select_n3A_346 = arith.select %le3A_337, %add3A_333, %broadcast_in_dim3A_345 : vector<16xi1>, vector<16xi32>
      %max3A_347 = arith.maxsi %max3A_293, %select_n3A_346 : vector<16xi32>
      %mul3A_348 = arith.constant 16 : i32
      %mul3A_349 = arith.muli %scan3A_321, %mul3A_348 : i32
      %add3A_350 = arith.constant 2048 : i32
      %add3A_351 = arith.addi %add3A_350, %mul3A_349 : i32
      %get3A_352 = arith.constant 0 : i32
      %get3A_353 = arith.index_cast %get3A_352 : i32 to index
      %get3A_354 = arith.index_cast %add3A_351 : i32 to index
      %get3A_355 = tpu.vector_load %arg8[%get3A_353, %get3A_354] {strides = array<i32>} : memref<1x4096xi32, #tpu.memory_space<vmem>>, vector<16xi32>,
      %broadcast_in_dim3A_356 = arith.constant true
      %broadcast_in_dim3A_357 = vector.broadcast %broadcast_in_dim3A_356 : i1 to vector<16xi1>
      %masked_cumsum3A_358 = tpu.scan <sum>, %get3A_355 masked %broadcast_in_dim3A_357 : vector<16xi32>, vector<16xi1> -> vector<16xi32>
      %add3A_359 = arith.addi %masked_cumsum3A_358, %gather3A_308 : vector<16xi32>
      %broadcast_in_dim3A_360 = vector.shape_cast %broadcast_in_dim3A_5 : vector<16xi32> to vector<16x1xi32>
      %gather3A_361 = vector.shape_cast %broadcast_in_dim3A_360 : vector<16x1xi32> to vector<16xi32>
      %gather3A_362 = tpu.dynamic_gather %add3A_359[%gather3A_361] in [0] : vector<16xi32>, vector<16xi32> -> vector<16xi32>
      %le3A_363 = arith.cmpi sle, %add3A_359, %sub3A_191 : vector<16xi32>
      %jit3A_364 = arith.constant 1 : i32
      %jit3A_365 = arith.constant 0 : i32
      %broadcast_in_dim3A_366 = vector.broadcast %jit3A_364 : i32 to vector<16xi32>
      %broadcast_in_dim3A_367 = vector.broadcast %jit3A_365 : i32 to vector<16xi32>
      %select_n3A_368 = arith.select %le3A_363, %broadcast_in_dim3A_366, %broadcast_in_dim3A_367 : vector<16xi1>, vector<16xi32>
      %add3A_369 = arith.addi %add3A_315, %select_n3A_368 : vector<16xi32>
      %jit3A_370 = arith.constant 0 : i32
      %broadcast_in_dim3A_371 = vector.broadcast %jit3A_370 : i32 to vector<16xi32>
      %select_n3A_372 = arith.select %le3A_363, %add3A_359, %broadcast_in_dim3A_371 : vector<16xi1>, vector<16xi32>
      %max3A_373 = arith.maxsi %max3A_319, %select_n3A_372 : vector<16xi32>
      scf.yield %gather3A_336, %add3A_343, %max3A_347, %gather3A_362, %add3A_369, %max3A_373 : vector<16xi32>, vector<16xi32>, vector<16xi32>, vector<16xi32>, vector<16xi32>, vector<16xi32>
    }
    %scan3A_217 = arith.constant 32 : i32
    %reduce_sum3A_218 = arith.constant true
    %reduce_sum3A_219 = vector.broadcast %reduce_sum3A_218 : i1 to vector<16xi1>
    %reduce_sum3A_220 = tpu.scan <sum>, %scan3A_216#1 masked %reduce_sum3A_219 : vector<16xi32>, vector<16xi1> -> vector<16xi32>
    %reduce_sum3A_221 = vector.extract %reduce_sum3A_220[15] : i32 from vector<16xi32>
    %reduce_max3A_222 = arith.constant true
    %reduce_max3A_223 = vector.broadcast %reduce_max3A_222 : i1 to vector<16xi1>
    %reduce_max3A_224 = arith.constant -2147483648 : i32
    %reduce_max3A_225 = vector.broadcast %reduce_max3A_224 : i32 to vector<16xi32>
    %reduce_max3A_226 = arith.xori %scan3A_216#2, %reduce_max3A_225 : vector<16xi32>
    %reduce_max3A_227 = tpu.scan <max>, %reduce_max3A_226 masked %reduce_max3A_223 : vector<16xi32>, vector<16xi1> -> vector<16xi32>
    %reduce_max3A_228 = arith.xori %reduce_max3A_227, %reduce_max3A_225 : vector<16xi32>
    %reduce_max3A_229 = vector.extract %reduce_max3A_228[15] : i32 from vector<16xi32>
    %reduce_sum3A_230 = arith.constant true
    %reduce_sum3A_231 = vector.broadcast %reduce_sum3A_230 : i1 to vector<16xi1>
    %reduce_sum3A_232 = tpu.scan <sum>, %scan3A_216#4 masked %reduce_sum3A_231 : vector<16xi32>, vector<16xi1> -> vector<16xi32>
    %reduce_sum3A_233 = vector.extract %reduce_sum3A_232[15] : i32 from vector<16xi32>
    %reduce_max3A_234 = arith.constant true
    %reduce_max3A_235 = vector.broadcast %reduce_max3A_234 : i1 to vector<16xi1>
    %reduce_max3A_236 = arith.constant -2147483648 : i32
    %reduce_max3A_237 = vector.broadcast %reduce_max3A_236 : i32 to vector<16xi32>
    %reduce_max3A_238 = arith.xori %scan3A_216#5, %reduce_max3A_237 : vector<16xi32>
    %reduce_max3A_239 = tpu.scan <max>, %reduce_max3A_238 masked %reduce_max3A_235 : vector<16xi32>, vector<16xi1> -> vector<16xi32>
    %reduce_max3A_240 = arith.xori %reduce_max3A_239, %reduce_max3A_237 : vector<16xi32>
    %reduce_max3A_241 = vector.extract %reduce_max3A_240[15] : i32 from vector<16xi32>
    %shift_left3A = arith.constant 20 : i32
    %shift_left3A_242 = arith.shli %add3A_115, %shift_left3A : i32
    %shift_left3A_243 = arith.constant 9 : i32
    %shift_left3A_244 = arith.shli %reduce_sum3A_167, %shift_left3A_243 : i32
    %or3A = arith.ori %shift_left3A_242, %shift_left3A_244 : i32
    %or3A_245 = arith.ori %or3A, %reduce_sum3A_221 : i32
    %shift_left3A_246 = arith.constant 20 : i32
    %shift_left3A_247 = arith.shli %add3A_116, %shift_left3A_246 : i32
    %shift_left3A_248 = arith.constant 9 : i32
    %shift_left3A_249 = arith.shli %reduce_sum3A_179, %shift_left3A_248 : i32
    %or3A_250 = arith.ori %shift_left3A_247, %shift_left3A_249 : i32
    %or3A_251 = arith.ori %or3A_250, %reduce_sum3A_233 : i32
    %broadcast_in_dim3A_252 = vector.broadcast %or3A_245 : i32 to vector<16xi32>
    %bitcast3A = vector.bitcast %broadcast_in_dim3A_252 : vector<16xi32> to vector<16xf32>
    %broadcast_in_dim3A_253 = vector.broadcast %or3A_251 : i32 to vector<16xi32>
    %bitcast3A_254 = vector.bitcast %broadcast_in_dim3A_253 : vector<16xi32> to vector<16xf32>
    %sub3A_255 = arith.subf %bitcast3A_254, %bitcast3A : vector<16xf32>
    %mul3A_256 = arith.mulf %sub3A, %sub3A_255 : vector<16xf32>
    %add3A_257 = arith.addf %bitcast3A, %mul3A_256 : vector<16xf32>
    %swap3A = arith.constant 0 : index
    %swap3A_258 = tpu.vector_load %arg11[%swap3A] {strides = array<i32>} : memref<16xf32, #tpu.memory_space<vmem>>, vector<16xf32>,
    tpu.vector_store %arg11[%swap3A], %add3A_257 {strides = array<i32>} : memref<16xf32, #tpu.memory_space<vmem>>, vector<16xf32>,
    %eq3A_259 = arith.constant 0 : i32
    %eq3A_260 = arith.cmpi eq, %arg1, %eq3A_259 : i32
    %convert_element_type3A_261 = arith.extui %eq3A_260 : i1 to i32
    %cond3A_262 = arith.constant 0 : i32
    %cond3A_263 = arith.cmpi ne, %convert_element_type3A_261, %cond3A_262 : i32
    scf.if %cond3A_263 {
      "tpu.region"() ({
        %run_scoped3A = tpu.sem_alloc : memref<!tpu.dma_semaphore, #tpu.memory_space<semaphore_mem>>
        %dma_start3A = arith.constant 0 : i32
        %dma_start3A_264 = tpu.memref_slice %arg5[%arg0, %dma_start3A] : memref<2x16xf32, #tpu.memory_space<hbm>> -> memref<1x16xf32, #tpu.memory_space<hbm>>
        %dma_start3A_265 = tpu.memref_squeeze %dma_start3A_264 : memref<1x16xf32, #tpu.memory_space<hbm>> -> memref<16xf32, #tpu.memory_space<hbm>>
        %dma_start3A_266 = arith.constant 0 : i32
        %dma_start3A_267 = tpu.memref_slice %arg5[%arg0, %dma_start3A_266] : memref<2x16xf32, #tpu.memory_space<hbm>> -> memref<1x16xf32, #tpu.memory_space<hbm>>
        %dma_start3A_268 = tpu.memref_squeeze %dma_start3A_267 : memref<1x16xf32, #tpu.memory_space<hbm>> -> memref<16xf32, #tpu.memory_space<hbm>>
        tpu.enqueue_dma source(%arg11 : memref<16xf32, #tpu.memory_space<vmem>>) target(%dma_start3A_268 : memref<16xf32, #tpu.memory_space<hbm>>) target_semaphore(%run_scoped3A : memref<!tpu.dma_semaphore, #tpu.memory_space<semaphore_mem>>)
        %dma_wait3A = arith.constant 0 : i32
        %dma_wait3A_269 = tpu.memref_slice %arg5[%arg0, %dma_wait3A] : memref<2x16xf32, #tpu.memory_space<hbm>> -> memref<1x16xf32, #tpu.memory_space<hbm>>
        %dma_wait3A_270 = tpu.memref_squeeze %dma_wait3A_269 : memref<1x16xf32, #tpu.memory_space<hbm>> -> memref<16xf32, #tpu.memory_space<hbm>>
        %dma_wait3A_271 = arith.constant 0 : i32
        %dma_wait3A_272 = tpu.memref_slice %arg5[%arg0, %dma_wait3A_271] : memref<2x16xf32, #tpu.memory_space<hbm>> -> memref<1x16xf32, #tpu.memory_space<hbm>>
        %dma_wait3A_273 = tpu.memref_squeeze %dma_wait3A_272 : memref<1x16xf32, #tpu.memory_space<hbm>> -> memref<16xf32, #tpu.memory_space<hbm>>
        tpu.wait_dma2 semaphore(%run_scoped3A : memref<!tpu.dma_semaphore, #tpu.memory_space<semaphore_mem>>) src(%arg11 : memref<16xf32, #tpu.memory_space<vmem>>) dst(%dma_wait3A_273 : memref<16xf32, #tpu.memory_space<hbm>>)
        tpu.yield
      }) : () -> ()
    } else {
    }
    return
  }
}

module attributes {stable_mosaic.version = 14 : i64} {
  func.func @_p3_body(%arg0: i32, %arg1: memref<65536xf32, #tpu.memory_space<vmem>>, %arg2: memref<65536xf32, #tpu.memory_space<vmem>>, %arg3: memref<2x16xf32, #tpu.memory_space<smem>>, %arg4: memref<3xf32, #tpu.memory_space<smem>>, %arg5: memref<3xf32, #tpu.memory_space<smem>>, %arg6: memref<1x1xf32, #tpu.memory_space<vmem>>) attributes {dimension_semantics = [#tpu.dimension_semantics<arbitrary>], iteration_bounds = array<i64: 4>, scalar_prefetch = 0 : i64, scratch_operands = 0 : i64, tpu.core_type = #tpu.core_type<tc>, window_params = [{transform_indices = @transform_0, window_bounds = array<i64: 65536>}, {transform_indices = @transform_1, window_bounds = array<i64: 65536>}, {transform_indices = @transform_2, window_bounds = array<i64: 2, 16>}, {transform_indices = @transform_3, window_bounds = array<i64: 3>}, {transform_indices = @transform_4, window_bounds = array<i64: 3>}, {pipeline_mode = #tpu.pipeline_mode<synchronous>, transform_indices = @transform_5, window_bounds = array<i64: 1, 1>}]} {
    %get3A = arith.constant 0 : index
    %get3A_0 = vector.load %arg1[%get3A] : memref<65536xf32, #tpu.memory_space<vmem>>, vector<65536xf32>
    %get3A_1 = arith.constant 0 : index
    %get3A_2 = vector.load %arg2[%get3A_1] : memref<65536xf32, #tpu.memory_space<vmem>>, vector<65536xf32>
    %get3A_3 = arith.constant 0 : index
    %get3A_4 = arith.constant 0 : index
    %get3A_5 = memref.load %arg3[%get3A_3, %get3A_4] : memref<2x16xf32, #tpu.memory_space<smem>>
    %get3A_6 = arith.constant 1 : index
    %get3A_7 = arith.constant 0 : index
    %get3A_8 = memref.load %arg3[%get3A_6, %get3A_7] : memref<2x16xf32, #tpu.memory_space<smem>>
    %lt3A = vector.broadcast %get3A_5 : f32 to vector<65536xf32>
    %lt3A_9 = arith.cmpf olt, %get3A_0, %lt3A : vector<65536xf32>
    %get3A_10 = arith.constant 0 : index
    %get3A_11 = memref.load %arg5[%get3A_10] : memref<3xf32, #tpu.memory_space<smem>>
    %jit3A = arith.constant 0.000000e+00 : f32
    %broadcast_in_dim3A = vector.broadcast %get3A_11 : f32 to vector<65536xf32>
    %broadcast_in_dim3A_12 = vector.broadcast %jit3A : f32 to vector<65536xf32>
    %select_n3A = arith.select %lt3A_9, %broadcast_in_dim3A, %broadcast_in_dim3A_12 : vector<65536xi1>, vector<65536xf32>
    %get3A_13 = arith.constant 1 : index
    %get3A_14 = memref.load %arg4[%get3A_13] : memref<3xf32, #tpu.memory_space<smem>>
    %ge3A = vector.broadcast %get3A_14 : f32 to vector<65536xf32>
    %ge3A_15 = arith.cmpf oge, %get3A_0, %ge3A : vector<65536xf32>
    %get3A_16 = arith.constant 2 : index
    %get3A_17 = memref.load %arg4[%get3A_16] : memref<3xf32, #tpu.memory_space<smem>>
    %lt3A_18 = vector.broadcast %get3A_17 : f32 to vector<65536xf32>
    %lt3A_19 = arith.cmpf olt, %get3A_0, %lt3A_18 : vector<65536xf32>
    %and3A = arith.andi %ge3A_15, %lt3A_19 : vector<65536xi1>
    %get3A_20 = arith.constant 1 : index
    %get3A_21 = memref.load %arg5[%get3A_20] : memref<3xf32, #tpu.memory_space<smem>>
    %broadcast_in_dim3A_22 = vector.broadcast %get3A_21 : f32 to vector<65536xf32>
    %select_n3A_23 = arith.select %and3A, %broadcast_in_dim3A_22, %select_n3A : vector<65536xi1>, vector<65536xf32>
    %gt3A = vector.broadcast %get3A_8 : f32 to vector<65536xf32>
    %gt3A_24 = arith.cmpf ogt, %get3A_0, %gt3A : vector<65536xf32>
    %get3A_25 = arith.constant 2 : index
    %get3A_26 = memref.load %arg5[%get3A_25] : memref<3xf32, #tpu.memory_space<smem>>
    %broadcast_in_dim3A_27 = vector.broadcast %get3A_26 : f32 to vector<65536xf32>
    %select_n3A_28 = arith.select %gt3A_24, %broadcast_in_dim3A_27, %select_n3A_23 : vector<65536xi1>, vector<65536xf32>
    %mul3A = arith.mulf %select_n3A_28, %get3A_2 : vector<65536xf32>
    %reduce_sum3A = vector.shape_cast %mul3A : vector<65536xf32> to vector<1x65536xf32>
    %reduce_sum3A_29 = arith.constant dense<0.000000e+00> : vector<1xf32>
    %reduce_sum3A_30 = vector.multi_reduction <add>, %reduce_sum3A, %reduce_sum3A_29 [1] : vector<1x65536xf32> to vector<1xf32>
    %reduce_sum3A_31 = vector.shape_cast %reduce_sum3A_30 : vector<1xf32> to vector<1x1xf32>
    %reduce_sum3A_32 = vector.extract %reduce_sum3A_31[0, 0] : f32 from vector<1x1xf32>
    %reshape3A = vector.broadcast %reduce_sum3A_32 : f32 to vector<1x1xf32>
    %eq3A = arith.constant 0 : i32
    %eq3A_33 = arith.cmpi eq, %arg0, %eq3A : i32
    %convert_element_type3A = arith.extui %eq3A_33 : i1 to i32
    %cond3A = arith.constant 0 : i32
    %cond3A_34 = arith.cmpi ne, %convert_element_type3A, %cond3A : i32
    scf.if %cond3A_34 {
      %broadcast_in_dim3A_45 = arith.constant 0.000000e+00 : f32
      %broadcast_in_dim3A_46 = vector.broadcast %broadcast_in_dim3A_45 : f32 to vector<1x1xf32>
      %swap3A_47 = arith.constant 0 : index
      %swap3A_48 = arith.constant 0 : index
      %swap3A_49 = vector.load %arg6[%swap3A_47, %swap3A_48] : memref<1x1xf32, #tpu.memory_space<vmem>>, vector<1x1xf32>
      tpu.vector_store %arg6[%swap3A_47, %swap3A_48], %broadcast_in_dim3A_46 {strides = array<i32>} : memref<1x1xf32, #tpu.memory_space<vmem>>, vector<1x1xf32>,
    } else {
    }
    %get3A_35 = arith.constant 0 : index
    %get3A_36 = arith.constant 0 : index
    %get3A_37 = vector.load %arg6[%get3A_35, %get3A_36] : memref<1x1xf32, #tpu.memory_space<vmem>>, vector<1x1xf32>
    %add3A = arith.addf %get3A_37, %reshape3A : vector<1x1xf32>
    %swap3A = arith.constant 0 : index
    %swap3A_38 = arith.constant 0 : index
    %swap3A_39 = vector.load %arg6[%swap3A, %swap3A_38] : memref<1x1xf32, #tpu.memory_space<vmem>>, vector<1x1xf32>
    tpu.vector_store %arg6[%swap3A, %swap3A_38], %add3A {strides = array<i32>} : memref<1x1xf32, #tpu.memory_space<vmem>>, vector<1x1xf32>,
    %eq3A_40 = arith.constant 3 : i32
    %eq3A_41 = arith.cmpi eq, %arg0, %eq3A_40 : i32
    %convert_element_type3A_42 = arith.extui %eq3A_41 : i1 to i32
    %cond3A_43 = arith.constant 0 : i32
    %cond3A_44 = arith.cmpi ne, %convert_element_type3A_42, %cond3A_43 : i32
    scf.if %cond3A_44 {
      %get3A_45 = arith.constant 0 : index
      %get3A_46 = arith.constant 0 : index
      %get3A_47 = vector.load %arg6[%get3A_45, %get3A_46] : memref<1x1xf32, #tpu.memory_space<vmem>>, vector<1x1xf32>
      %mul3A_48 = arith.constant 2.98023224E-8 : f32
      %mul3A_49 = vector.broadcast %mul3A_48 : f32 to vector<1x1xf32>
      %mul3A_50 = arith.mulf %get3A_47, %mul3A_49 : vector<1x1xf32>
      %swap3A_51 = arith.constant 0 : index
      %swap3A_52 = arith.constant 0 : index
      %swap3A_53 = vector.load %arg6[%swap3A_51, %swap3A_52] : memref<1x1xf32, #tpu.memory_space<vmem>>, vector<1x1xf32>
      tpu.vector_store %arg6[%swap3A_51, %swap3A_52], %mul3A_50 {strides = array<i32>} : memref<1x1xf32, #tpu.memory_space<vmem>>, vector<1x1xf32>,
    } else {
    }
    return
  }
  func.func @transform_0(%arg0: i32) -> i32 {
    %c0_i32 = arith.constant 0 : i32
    return %arg0 : i32
  }
  func.func @transform_1(%arg0: i32) -> i32 {
    %c0_i32 = arith.constant 0 : i32
    return %arg0 : i32
  }
  func.func @transform_2(%arg0: i32) -> (i32, i32) {
    %c0_i32 = arith.constant 0 : i32
    %c0_i32_0 = arith.constant 0 : i32
    %c0_i32_1 = arith.constant 0 : i32
    return %c0_i32, %c0_i32_0 : i32, i32
  }
  func.func @transform_3(%arg0: i32) -> i32 {
    %c0_i32 = arith.constant 0 : i32
    %c0_i32_0 = arith.constant 0 : i32
    return %c0_i32 : i32
  }
  func.func @transform_4(%arg0: i32) -> i32 {
    %c0_i32 = arith.constant 0 : i32
    %c0_i32_0 = arith.constant 0 : i32
    return %c0_i32 : i32
  }
  func.func @transform_5(%arg0: i32) -> (i32, i32) {
    %c0_i32 = arith.constant 0 : i32
    %c0_i32_0 = arith.constant 0 : i32
    %c0_i32_1 = arith.constant 0 : i32
    return %c0_i32, %c0_i32_0 : i32, i32
  }
}

module attributes {stable_mosaic.version = 14 : i64} {
  func.func @_p1_body(%arg0: i32, %arg1: memref<8192x128xf32, #tpu.memory_space<vmem>>, %arg2: memref<8192x128xf32, #tpu.memory_space<vmem>>, %arg3: memref<8192xf32, #tpu.memory_space<vmem>>, %arg4: memref<8192xf32, #tpu.memory_space<vmem>>) attributes {dimension_semantics = [#tpu.dimension_semantics<arbitrary>], iteration_bounds = array<i64: 32>, scalar_prefetch = 0 : i64, scratch_operands = 0 : i64, tpu.core_type = #tpu.core_type<tc>, window_params = [{transform_indices = @transform_0, window_bounds = array<i64: 8192, 128>}, {transform_indices = @transform_1, window_bounds = array<i64: 8192, 128>}, {transform_indices = @transform_2, window_bounds = array<i64: 8192>}, {transform_indices = @transform_3, window_bounds = array<i64: 8192>}]} {
    %get3A = arith.constant 0 : index
    %get3A_0 = arith.constant 0 : index
    %get3A_1 = vector.load %arg1[%get3A, %get3A_0] : memref<8192x128xf32, #tpu.memory_space<vmem>>, vector<8192x128xf32>
    %get3A_2 = arith.constant 0 : index
    %get3A_3 = arith.constant 0 : index
    %get3A_4 = vector.load %arg2[%get3A_2, %get3A_3] : memref<8192x128xf32, #tpu.memory_space<vmem>>, vector<8192x128xf32>
    %sub3A = arith.subf %get3A_1, %get3A_4 : vector<8192x128xf32>
    %broadcast_in_dim3A = arith.constant 1.000000e+00 : f32
    %broadcast_in_dim3A_5 = vector.broadcast %broadcast_in_dim3A : f32 to vector<8x128xf32>
    %mul3A = arith.mulf %sub3A, %sub3A : vector<8192x128xf32>
    %dot_general3A = arith.constant dense<0.000000e+00> : vector<8x8192xf32>
    %dot_general3A_6 = tpu.matmul %broadcast_in_dim3A_5, %mul3A, %dot_general3A {dimension_numbers = #tpu.dot_dimension_numbers<[1], [1], [0], [0], [0, 0, 1, 0], [], []>, transpose_lhs_hint = false} : vector<8x128xf32>, vector<8192x128xf32>, vector<8x8192xf32> -> vector<8x8192xf32>
    %mul3A_7 = arith.mulf %get3A_4, %get3A_4 : vector<8192x128xf32>
    %dot_general3A_8 = arith.constant dense<0.000000e+00> : vector<8x8192xf32>
    %dot_general3A_9 = tpu.matmul %broadcast_in_dim3A_5, %mul3A_7, %dot_general3A_8 {dimension_numbers = #tpu.dot_dimension_numbers<[1], [1], [0], [0], [0, 0, 1, 0], [], []>, transpose_lhs_hint = false} : vector<8x128xf32>, vector<8192x128xf32>, vector<8x8192xf32> -> vector<8x8192xf32>
    %slice3A = vector.extract_strided_slice %dot_general3A_6 {offsets = [0, 0], sizes = [1, 8192], strides = [1, 1]} : vector<8x8192xf32> to vector<1x8192xf32>
    %squeeze3A = vector.shape_cast %slice3A : vector<1x8192xf32> to vector<8192xf32>
    %swap3A = arith.constant 0 : index
    %swap3A_10 = vector.load %arg3[%swap3A] : memref<8192xf32, #tpu.memory_space<vmem>>, vector<8192xf32>
    tpu.vector_store %arg3[%swap3A], %squeeze3A {strides = array<i32>} : memref<8192xf32, #tpu.memory_space<vmem>>, vector<8192xf32>,
    %slice3A_11 = vector.extract_strided_slice %dot_general3A_9 {offsets = [0, 0], sizes = [1, 8192], strides = [1, 1]} : vector<8x8192xf32> to vector<1x8192xf32>
    %squeeze3A_12 = vector.shape_cast %slice3A_11 : vector<1x8192xf32> to vector<8192xf32>
    %sqrt3A = math.sqrt %squeeze3A_12 : vector<8192xf32>
    %swap3A_13 = arith.constant 0 : index
    %swap3A_14 = vector.load %arg4[%swap3A_13] : memref<8192xf32, #tpu.memory_space<vmem>>, vector<8192xf32>
    tpu.vector_store %arg4[%swap3A_13], %sqrt3A {strides = array<i32>} : memref<8192xf32, #tpu.memory_space<vmem>>, vector<8192xf32>,
    return
  }
  func.func @transform_0(%arg0: i32) -> (i32, i32) {
    %c0_i32 = arith.constant 0 : i32
    %c0_i32_0 = arith.constant 0 : i32
    return %arg0, %c0_i32 : i32, i32
  }
  func.func @transform_1(%arg0: i32) -> (i32, i32) {
    %c0_i32 = arith.constant 0 : i32
    %c0_i32_0 = arith.constant 0 : i32
    return %arg0, %c0_i32 : i32, i32
  }
  func.func @transform_2(%arg0: i32) -> i32 {
    %c0_i32 = arith.constant 0 : i32
    return %arg0 : i32
  }
  func.func @transform_3(%arg0: i32) -> i32 {
    %c0_i32 = arith.constant 0 : i32
    return %arg0 : i32
  }
}

</mosaic_0001>

<sc_bundles>
// kernel: kernel.5.cloned.1.call-start
scs
__scs_entry_jumppad:
0x0: {  	(pc) =	sbr.rel $0x88, $3  }
0x1: {  	(tag) =	ssettag $0x0;
	lr =	simm.s32 $0x1  }
0x2: {  	[smem:$0x3F9D] =	sst lr;
	_ =	strace $0xD0000000  }
0x3: {  	_ = 	snop  }
0x4: {  	_ = 	snop  }
0x5: {  	_ = 	snop  }
0x6: {  	_ = 	snop  }
0x7: {  	_ = 	snop  }
__scs_overlays_trampoline_lowered:
0x8: {  	[smem:$0x3FAC] =	sst s0  }
0x9: {  	[smem:$0x3FAD] =	sst s1  }
0xa: {  	[smem:$0x3FAE] =	sst s2  }
0xb: {  	[smem:$0x3FAF] =	sst s3  }
0xc: {  	[smem:$0x3FB0] =	sst s4  }
0xd: {  	[smem:$0x3FB1] =	sst s5  }
0xe: {  	[smem:$0x3FB2] =	sst s6  }
0xf: {  	[smem:$0x3FB3] =	sst s7  }
0x10: {  	[smem:$0x3FB4] =	sst s8  }
0x11: {  	[smem:$0x3FB5] =	sst s9;
	s0 =	simm.s32 @!p0 $0x0  }
0x12: {  	s1 =	sld [smem:$0x3F9B];
	s0 =	simm.s32 @p0 $0x1  }
0x13: {  	[smem:$0x3FB6] =	sst s0;
	s0 =	simm.s32 @!p1 $0x0  }
0x14: {  	s2 =	sld [smem:$0x3F9A];
	s0 =	simm.s32 @p1 $0x1  }
0x15: {  	[smem:$0x3FB7] =	sst s0;
	s0 =	simm.s32 @!p2 $0x0  }
0x16: {  	s3 =	sld [smem:$0x3FDB];
	s0 =	simm.s32 @p2 $0x1  }
0x17: {  	s4 =	simm.s32 $0x1BF5;
	[smem:$0x3FB9] =	sst s0  }
0x18: {  	s0 =	sld [smem:$0x3F9C];
	_ =	swait.ge [sflag:s4], $0x0  }
0x19: {  	s7 =	sld [smem:$0x3F9D]  }
0x1a: {  	s8 =	sadd.s32 $0xFFFFE003, lr  }
0x1b: {  	s9 =	sadd.s32 $0xFFFFFEF7, lr;
	s5 =	simm.s32 $0xFFFFFFFF;
	p2 =	slt.u32 s8, $0xFFFFF086  }
0x1c: {  	p1 =	slt.u32 s9, $0xF7A;
	s5 =	simm.s32 @!p2 $0x0  }
0x1d: {  	s5 =	simm.s32 @p1 $0x1;
	p0 =	seq.s32 s7, s2  }
0x1e: {  	s7 =	smul.u32 @!p0 $0xF7A, s2;
	p2 =	seq.s32 @!p0 s5, $0x0  }
0x1f: {  	s9 =	smul.u32 $0xF7A, s1;
	s8 =	simm.s32 @!p0 $0x1BF5;
	p2 =	por !p2, p0  }
0x20: {  	[sflag:s8] =	ssyncset.s32 @!p0 $0xFFFFF086;
	s6 =	sadd.s32 @!p0 s3, s7;
	s7 =	simm.s32 @!p0 $0x108  }
0x21: {  	s3 =	sadd.s32 s3, s9;
	s6 =	sadd.s32 @!p0 $0x88, s6;
	s7 =	simm.s32 @p2 $0x1082  }
0x22: {  	[simem:s7], [sflag:s8] =	dma.local @!p0 [hbm:s6], $0xF7A  }
0x23: {  	s9 =	sor.u32 $0xD0000000, s2;
	s6 =	simm.s32 $0x108;
	_ =	swait.ge @!p0 [sflag:s8], $0x0  }
0x24: {  	s3 =	sadd.s32 $0x88, s3;
	s6 =	simm.s32 @!p1 $0x1082;
	[sflag:s4] =	ssyncset.s32 $0xFFFFF086  }
0x25: {  	[simem:s6], [sflag:s4] =	dma.local [hbm:s3], $0xF7A  }
0x26: {  	[smem:$0x3F9D] =	sst s1;
	(tag) =	ssettag s2;
	_ =	strace s9  }
0x27: {  	s1 =	sld [smem:$0x3FAD]  }
0x28: {  	s2 =	sld [smem:$0x3FAE]  }
0x29: {  	s4 =	sld [smem:$0x3FB0]  }
0x2a: {  	p0 =	seq.s32 s5, $0x0;
	s5 =	sld [smem:$0x3FB1]  }
0x2b: {  	s6 =	sld [smem:$0x3FB2]  }
0x2c: {  	s7 =	sld [smem:$0x3FB3]  }
0x2d: {  	s3 =	simm.s32 $0x108;
	s8 =	sld [smem:$0x3FB4]  }
0x2e: {  	s3 =	simm.s32 @!p0 $0x1082;
	s9 =	sld [smem:$0x3FB5]  }
0x2f: {  	lr =	sadd.s32 s0, s3;
	s0 =	sld [smem:$0x3FAC]  }
0x30: {  	s3 =	sld [smem:$0x3FAF]  }
0x31: {  	[smem:$0x3FB8] =	sst s10  }
0x32: {  	s10 =	sld [smem:$0x3FB6];
	_ =	sdelay $0x3  }
0x33: {  	p0 =	seq.s32 s10, $0x1;
	s10 =	sld [smem:$0x3FB8];
	_ =	sdelay $0x3  }
0x34: {  	[smem:$0x3FB8] =	sst s10  }
0x35: {  	s10 =	sld [smem:$0x3FB7];
	_ =	sdelay $0x3  }
0x36: {  	p1 =	seq.s32 s10, $0x1;
	s10 =	sld [smem:$0x3FB8];
	_ =	sdelay $0x3  }
0x37: {  	[smem:$0x3FB8] =	sst s10  }
0x38: {  	s10 =	sld [smem:$0x3FB9]  }
0x39: {  	_ = 	snop;
	(pc) =	sbr.ind lr, $3  }
0x3a: {  	_ = 	snop  }
0x3b: {  	_ = 	snop  }
0x3c: {  	p2 =	seq.s32 s10, $0x1;
	s10 =	sld [smem:$0x3FB8]  }
0x3d: {  	_ =	shalt  }
0x3e: {  	_ =	shalt  }
0x3f: {  	_ =	shalt  }
0x40: {  	_ =	shalt  }
0x41: {  	_ =	shalt  }
0x42: {  	_ =	shalt  }
0x43: {  	_ =	shalt  }
0x44: {  	_ =	shalt  }
0x45: {  	_ =	shalt  }
0x46: {  	_ =	shalt  }
0x47: {  	_ =	shalt  }
0x48: {  	_ =	shalt  }
0x49: {  	_ =	shalt  }
0x4a: {  	_ =	shalt  }
0x4b: {  	_ =	shalt  }
0x4c: {  	_ =	shalt  }
0x4d: {  	_ =	shalt  }
0x4e: {  	_ =	shalt  }
0x4f: {  	_ =	shalt  }
0x50: {  	_ =	shalt  }
0x51: {  	_ =	shalt  }
0x52: {  	_ =	shalt  }
0x53: {  	_ =	shalt  }
0x54: {  	_ =	shalt  }
0x55: {  	_ =	shalt  }
0x56: {  	_ =	shalt  }
0x57: {  	_ =	shalt  }
0x58: {  	_ =	shalt  }
0x59: {  	_ =	shalt  }
0x5a: {  	_ =	shalt  }
0x5b: {  	_ =	shalt  }
0x5c: {  	_ =	shalt  }
0x5d: {  	_ =	shalt  }
0x5e: {  	_ =	shalt  }
0x5f: {  	_ =	shalt  }
0x60: {  	_ =	shalt  }
0x61: {  	_ =	shalt  }
0x62: {  	_ =	shalt  }
0x63: {  	_ =	shalt  }
0x64: {  	_ =	shalt  }
0x65: {  	_ =	shalt  }
0x66: {  	_ =	shalt  }
0x67: {  	_ =	shalt  }
0x68: {  	_ =	shalt  }
0x69: {  	_ =	shalt  }
0x6a: {  	_ =	shalt  }
0x6b: {  	_ =	shalt  }
0x6c: {  	_ =	shalt  }
0x6d: {  	_ =	shalt  }
0x6e: {  	_ =	shalt  }
0x6f: {  	_ =	shalt  }
0x70: {  	_ =	shalt  }
0x71: {  	_ =	shalt  }
0x72: {  	_ =	shalt  }
0x73: {  	_ =	shalt  }
0x74: {  	_ =	shalt  }
0x75: {  	_ =	shalt  }
0x76: {  	_ =	shalt  }
0x77: {  	_ =	shalt  }
0x78: {  	_ =	shalt  }
0x79: {  	_ =	shalt  }
0x7a: {  	_ =	shalt  }
0x7b: {  	_ =	shalt  }
0x7c: {  	_ =	shalt  }
0x7d: {  	_ =	shalt  }
0x7e: {  	_ =	shalt  }
0x7f: {  	_ =	shalt  }
0x80: {  	_ =	shalt  }
0x81: {  	_ =	shalt  }
0x82: {  	_ =	shalt  }
0x83: {  	_ =	shalt  }
0x84: {  	_ =	shalt  }
0x85: {  	_ =	shalt  }
0x86: {  	_ =	shalt  }
0x87: {  	_ =	shalt  }
.Lfunc_end0:
.L_simem_size_0:
called_computation_lowered:
.L_overlay_start_0:
0x88: {  	s2 =	sld [smem:$0x3FD9]  }
0x89: {  	s3 =	sld [smem:$0x3FFE];
	_ =	sdelay $0x1  }
0x8a: {  	s1 =	srdreg.scid  }
0x8b: {  	s0 =	sand.u32 $0x1, s1  }
0x8c: {  	s17 =	sshll.u32 s0, $0xA;
	s2 =	sadd.s32 s3, s2  }
0x8d: {  	s2 =	sadd.s32 s2, s17  }
0x8e: {  	[smem:$0x3FC4] =	sst s2  }
0x8f: {  	_ = 	snop  }
0x90: {  	s2 =	sld [smem:$0x3FC7]  }
0x91: {  	s18 =	sld [smem:$0x3FD0];
	(tm) =	ssettm $0x1  }
0x92: {  	s4 =	sld [smem:$0x3FFB];
	_ =	sdelay $0x3  }
0x93: {  	_ =	strace s4  }
0x94: {  	s4 =	sld [smem:$0x3FFC];
	_ =	sdelay $0x3  }
0x95: {  	_ =	strace s4  }
0x96: {  	s4 =	sld [smem:$0x3FFD];
	_ =	sdelay $0x3  }
0x97: {  	_ =	strace s4  }
0x98: {  	_ =	strace $0x8FFFFFFF  }
0x99: {  	s19 =	sld [smem:$0x3FDB];
	_ =	sdelay $0x1  }
0x9a: {  	s5 =	simm.s32 $_scs_section_size  }
0x9b: {  	s6 =	simm.s32 $_size__tile_overlayer_lowered;
	s7 =	simm.s32 $_tile_overlayer_lowered  }
0x9c: {  	s22 =	simm.s32 $0x1BFF;
	s21 =	sshll.u32 s7, $0x1;
	s4 =	sadd.s32 s5, s19  }
0x9d: {  	s8 =	simm.s32 $0x0;
	s20 =	sshll.u32 s6, $0x1;
	s6 =	sadd.s32 s21, s4  }
0x9e: {  	[timem:s8], [sflag:s22] =	dma.local [hbm:s6], s20  }
0x9f: {  	_ =	swait.ge [sflag:s22], s20  }
0xa0: {  	s5 =	ssub.s32 $0x0, s20;
	[sflag:s22] =	ssyncset.done $0x0  }
0xa1: {  	[sflag:s22] =	ssyncadd.s32 s5;
	_ =	sdelay $0x1  }
0xa2: {  	s23 =	simm.s32 $0x1B8B  }
0xa3: {  	_ =	swait.ge [sflag:s23], $0x1  }
0xa4: {  	[sflag:s23] =	ssyncset.done $0x0  }
0xa5: {  	s25 =	simm.s32 $0x1B8E;
	s24 =	sld [smem:$0x3FFE];
	[sflag:s23] =	ssyncadd.s32 $0xFFFFFFFF  }
0xa6: {  	s26 =	simm.s32 $execute0_lowered;
	[smem:$0x3FD2] =	sst s25  }
0xa7: {  	s6 =	sshll.u32 s26, $0x1;
	_ =	strace $0x80000046;
	[dreg:$0x1] =	wrdreg $0xFFFFFFFF  }
0xa8: {  	s28 =	simm.s32 $_size_execute0_lowered;
	s4 =	sadd.s32 s4, s6;
	[dreg:$0x0] =	wrdreg $0x0  }
0xa9: {  	s6 =	sshll.u32 s28, $0x1;
	[dreg:$0x2] =	wrdreg s4  }
0xaa: {  	[dreg:$0x3] =	wrdreg s6  }
0xab: {  	[dreg:$0x4] =	wrdreg $0xC0  }
0xac: {  	_ =	task [dreg:s8], $0x5FFFF  }
0xad: {  	[dreg:$0x1] =	wrdreg $0xFFFFFFFF  }
0xae: {  	[dreg:$0x0] =	wrdreg $0x60  }
0xaf: {  	[dreg:$0x2] =	wrdreg s24  }
0xb0: {  	[dreg:$0x3] =	wrdreg s2  }
0xb1: {  	[dreg:$0x4] =	wrdreg s18  }
0xb2: {  	[dreg:$0x5] =	wrdreg $0x71800  }
0xb3: {  	[dreg:$0x6] =	wrdreg $0x9  }
0xb4: {  	_ =	task.clear_ibuf [dreg:s8], $0x7FFFF;
	_ =	strace $0x90000046  }
0xb5: {  	s29 =	simm.s32 $0x9;
	_ =	strace $0x80000048  }
0xb6: {  	_ =	swait.ge [sflag:s29], $0x1  }
0xb7: {  	[sflag:s29] =	ssyncadd.s32 $0xFFFFFFFF  }
0xb8: {  	_ =	strace $0x90000048  }
0xb9: {  	_ =	sfence  }
0xba: {  	s30 =	sld [smem:$0x0];
	_ =	sdelay $0x2  }
0xbb: {  	s31 =	sshll.u32 s1, $0xD;
	s1 =	sshrl.u32 s1, $0x2  }
0xbc: {  	s3 =	sand.u32 $0x4000, s31;
	s1 =	sadd.s32 s1, s30  }
0xbd: {  	s0 =	sor.u32 s3, s0;
	s1 =	sshll.u32 s1, $0x11  }
0xbe: {  	s0 =	sor.u32 s1, s0  }
0xbf: {  	s0 =	sadd.s32 $0x8F2B, s0  }
0xc0: {  	[sflag:s0] =	ssyncadd.remote.s32 $0x1  }
0xc1: {  	_ =	sfence.sel $0xFFFF  }
0xc2: {  	[dreg:$0x0] =	wrdreg $0xFFFFFFFF;
	(pc) =	sbr.abs _section_cstart, $3  }
0xc3: {  	[dreg:$0x1] =	wrdreg $0xFFFFFFFF  }
0xc4: {  	_ =	task.clear_ibuf [dreg:s8], $0x2FFFF;
	_ =	strace $0x9FFFFFFF  }
0xc5: {  	(tm) =	ssettm $0x7FFFFFFF  }
tec
execute0_lowered:
.L_overlay_start_1:
0x0: {  	(tag) =	ssettag $0x1  }
0x1: {  	s5 =	rddreg [dreg:$0x0]  }
0x2: {  	s1 =	rddreg [dreg:$0x1]  }
0x3: {  	s2 =	rddreg [dreg:$0x2]  }
0x4: {  	s3 =	rddreg [dreg:$0x3]  }
0x5: {  	s0 =	rddreg [dreg:$0x4];
	s4 =	simm.s32 $0x0  }
0x6: {  	s6 =	srdreg.scid;
	s12 =	stileid.u32;
	s10 =	simm.s32 $0x7080  }
0x7: {  	[smem:$0x7FF] =	sst s4;
	s11 =	sand.u32 $0x1, s6;
	s7 =	sshll.u32 s12, $0xB  }
0x8: {  	p0 =	sne.s32 s12, $0x0;
	_ =	strace $0x80000047;
	s6 =	ssub.s32 $0x2, s11  }
0x9: {  	s8 =	sshll.u32 s11, $0x4;
	s7 =	sadd.s32 s7, s5;
	p1 =	seq.s32 s11, $0x0  }
0xa: {  	s11 =	simm.s32 $0x0;
	s9 =	sshrl.u32 s6, $0x1;
	s8 =	sadd.s32 s8, s5  }
0xb: {  	v0 =	vimm.s32 $0x0;
	vm0 =	vmmov $0x1;
	s5 =	sadd.s32 $0x1000, s7;
	s9 =	ssub.s32 s6, s9;
	s6 =	sadd.s32 $0x9000, s8  }
0xc: {  	vm1 =	vcmask $0x70C;
	v1 =	vimm.s32 $0x1;
	v2 =	vimm.s32 $0xF;
	s8 =	simm.s32 $0x1;
	s7 =	smax.u32 s9, $0x1;
	s9 =	simm.s32 $0x7000  }
.LBB2_1:
0xd: {  	[tilespmem:s4], [sflag:$0x1] =	stream.linear.gather [hbm4b:s5+s4], $0x4000, $0x38;
	[tilespmem:$0x7280] =	vst v63  }
0xe: {  	_ =	swait.ge [sflag:s8], $0x4000  }
0xf: {  	[sflag:s8] =	ssyncset.done $0x0  }
0x10: {  	[sflag:s8] =	ssyncadd.s32 $0xFFFFC000  }
0x11: {  	[tilespmem:s9], [sflag:$0x1] =	stream.linear.gather [hbm4b:s1+s4], $0x3, $0x38;
	[tilespmem:$0x7280] =	vst v63  }
0x12: {  	_ =	swait.ge [sflag:s8], $0x3  }
0x13: {  	[sflag:s8] =	ssyncset.done $0x0  }
0x14: {  	[sflag:s8] =	ssyncadd.s32 $0xFFFFFFFD  }
0x15: {  	[tilespmem:s10], [sflag:$0x1] =	stream.linear.gather [hbm4b:s2+s4], $0x80, $0x38;
	[tilespmem:$0x7280] =	vst v63  }
0x16: {  	_ =	swait.ge [sflag:s8], $0x80  }
0x17: {  	[sflag:s8] =	ssyncset.done $0x0  }
0x18: {  	s13 =	simm.s32 $0x4000;
	[sflag:s8] =	ssyncadd.s32 $0xFFFFFF80  }
0x19: {  	v3 =	vld [tilespmem:$0x7000];
	[tilespmem:s13+$0x1030] =	vst v0  }
0x1a: {  	[tilespmem:s13+$0x30] =	vst v0  }
0x1b: {  	[tilespmem:s13+$0x1020] =	vst v0  }
0x1c: {  	[tilespmem:s13+$0x20] =	vst v0  }
0x1d: {  	[tilespmem:s13+$0x1010] =	vst v0  }
0x1e: {  	s14 =	simm.s32 $0x0;
	[tilespmem:s13+$0x10] =	vst v0  }
0x1f: {  	s16 =	sand.u32 $0x7C0, s4;
	s12 =	simm.s32 $0x6040;
	s15 =	simm.s32 $0x0;
	[tilespmem:s13+$0x0] =	vst v0  }
.LBB2_2:
0x20: {  	s14 =	sadd.s32 $0x4, s14;
	[tilespmem:s16+$0x5000] =	vst v0;
	s15 =	sadd.s32 $0x40, s15;
	s13 =	sadd.s32 $0x40, s13  }
0x21: {  	[tilespmem:s13+$0x1030] =	vst v0;
	p2 =	slt.u32 s14, $0x7C  }
0x22: {  	[tilespmem:s13+$0x30] =	vst v0  }
.Ltmp0:
0x23: {  	[tilespmem:s13+$0x1020] =	vst v0;
	(pc) =	sbr.rel @p2 .LBB2_2-.Ltmp0, $4  }
0x24: {  	[tilespmem:s13+$0x20] =	vst v0  }
0x25: {  	[tilespmem:s13+$0x1010] =	vst v0  }
0x26: {  	[tilespmem:s13+$0x10] =	vst v0  }
0x27: {  	s16 =	sand.u32 $0x7C0, s15;
	[tilespmem:s13+$0x0] =	vst v0  }
0x28: {  	[tilespmem:s16+$0x5000] =	vst v0  }
0x29: {  	[tilespmem:s12+$0xFFFFFFC0] =	vst v0  }
0x2a: {  	[tilespmem:s12+$0x30] =	vst v0  }
0x2b: {  	[tilespmem:s12+$0x20] =	vst v0  }
0x2c: {  	[tilespmem:s12+$0x10] =	vst v0  }
0x2d: {  	[tilespmem:s12+$0x0] =	vst v0  }
0x2e: {  	[tilespmem:s12+$0xFFFFFFF0] =	vst v0  }
0x2f: {  	s13 =	simm.s32 $0x0;
	[tilespmem:s12+$0xFFFFFFE0] =	vst v0  }
.LBB2_4:
0x30: {  	s13 =	sadd.s32 $0x8, s13;
	[tilespmem:s12+$0xFFFFFFD0] =	vst v0;
	s12 =	sadd.s32 $0x80, s12  }
0x31: {  	[tilespmem:s12+$0xFFFFFFC0] =	vst v0;
	p2 =	slt.u32 s13, $0xF8  }
0x32: {  	[tilespmem:s12+$0x30] =	vst v0  }
.Ltmp1:
0x33: {  	[tilespmem:s12+$0x20] =	vst v0;
	(pc) =	sbr.rel @p2 .LBB2_4-.Ltmp1, $4  }
0x34: {  	[tilespmem:s12+$0x10] =	vst v0  }
0x35: {  	[tilespmem:s12+$0x0] =	vst v0  }
0x36: {  	[tilespmem:s12+$0xFFFFFFF0] =	vst v0  }
0x37: {  	[tilespmem:s12+$0xFFFFFFE0] =	vst v0  }
0x38: {  	v4 =	vnsel vm0, $0x0, v3  }
0x39: {  	v3 =	vsel vm1, $0x0, v3;
	(xrf0) =	vmax.scan.msk.f32 $0xffff, v4  }
0x3a: {  	(xrf0) =	vmax.scan.msk.f32 $0xffff, v3;
	_ =	sdelay $0x4  }
0x3b: {  	v3, _, _ =	vpop (xrf0)  }
0x3c: {  	(v2sf) =	vpush v3, $0xF;
	v3, _, _ =	vpop (xrf0)  }
0x3d: {  	(v2sf) =	vpush v3, $0xF;
	_ =	sdelay $0xb  }
0x3e: {  	[tilespmem:s12+$0xFFFFFFD0] =	vst v0;
	s12 =	simm.s32 @!p0 $0x6000  }
0x3f: {  	[spmem:s3] =	stream.linear.scatter @!p0 [tilespmem:s12], [sflag:$0x1], $0x1000, $0x38;
	[tilespmem:$0x7280] =	vst v63  }
0x40: {  	s13 =	spop (v2sf)  }
0x41: {  	s14 =	spop (v2sf)  }
0x42: {  	s14 =	smov.u32 @p1 s13  }
0x43: {  	s12 =	simm.s32 @!p0 $0x1;
	v3 =	vmov s14  }
0x44: {  	_ =	swait.ge @!p0 [sflag:s12], $0x1000;
	v3 =	vmul.f32 $2.621430000e+05, v3  }
0x45: {  	[sflag:s12] =	ssyncset.done @!p0 $0x0  }
0x46: {  	[sflag:s12] =	ssyncadd.s32 @!p0 $0xFFFFF000;
	v3 =	vbroadcast v3, $0x0  }
0x47: {  	s30 =	simm.s32 $0x10;
	[bflag:$0x0] =	sbarrier.arrive $0xFFFF  }
0x48: {  	v5 =	vld [tilespmem:s30+$0x0];
	v4 =	vtrunc.f32 v3  }
0x49: {  	v4 =	vcvt.f32.s32 v4;
	_ =	sdelay $0x1  }
0x4a: {  	v6 =	vld [tilespmem:s30+$0xFFFFFFF0];
	v7 =	vcvt.s32.f32 v4  }
0x4b: {  	s31 =	simm.s32 $0x30;
	v8 =	vadd.s32 $0x1, v4  }
0x4c: {  	v9 =	vld [tilespmem:s31+$0xFFFFFFF0];
	vm2 =	vlt.s32 v8, $0x3FFFF;
	v3 =	vsub.f32 v3, v7;
	v7 =	vshra.s32 v5, $0x14  }
0x4d: {  	v5 =	vnsel vm2, $0x3FFFF, v8;
	v8 =	vld [tilespmem:s31+$0x0];
	v7 =	vadd.s32 $0x1000, v7  }
0x4e: {  	s16 =	simm.s32 $0x50;
	s15 =	simm.s32 $0x4000  }
0x4f: {  	s13 =	simm.s32 $0x2;
	s14 =	simm.s32 $0x4000;
	s12 =	simm.s32 $0x4000;
	v6 =	vshra.s32 v6, $0x14  }
.LBB2_6:
0x50: {  	s13 =	sadd.s32 $0x2, s13  }
0x51: {  	v10 =	vld [tilespmem:s16+$0xFFFFFFF0];
	p2 =	slt.u32 s13, $0x3FE  }
.Ltmp2:
0x52: {  	v9 =	vshra.s32 v9, $0x14;
	v11 =	vshra.s32 v8, $0x14;
	[tilespmem:v7+s15+$0x0] =	vst.idx.add.s32.msk $0xffff, v1;
	(pc) =	sbr.rel @p2 .LBB2_6-.Ltmp2, $3  }
0x53: {  	v8 =	vld [tilespmem:s16+$0x0];
	v7 =	vadd.s32 $0x1000, v11  }
0x54: {  	[tilespmem:v6+s15+$0x0] =	vst.idx.add.s32.msk $0xffff, v1;
	v6 =	vmov v9;
	s15 =	smov.u32 s14;
	s14 =	smov.u32 s12;
	_ =	sdelay $0x1  }
0x55: {  	s16 =	sadd.s32 $0x20, s16;
	v9 =	vmov v10  }
0x56: {  	_ = 	snop  }
0x57: {  	v9 =	vshra.s32 v9, $0x14;
	v8 =	vshra.s32 v8, $0x14  }
0x58: {  	v8 =	vadd.s32 $0x1000, v8;
	_ =	sdelay $0x1  }
0x59: {  	[tilespmem:v7+s15+$0x0] =	vst.idx.add.s32.msk $0xffff, v1  }
0x5a: {  	[tilespmem:v6+s15+$0x0] =	vst.idx.add.s32.msk $0xffff, v1  }
0x5b: {  	[tilespmem:v9+s14+$0x0] =	vst.idx.add.s32.msk $0xffff, v1  }
0x5c: {  	s13 =	simm.s32 $0x0;
	[tilespmem:v8+s14+$0x0] =	vst.idx.add.s32.msk $0xffff, v1  }
0x5d: {  	s13 =	sand.u32 $0x7C0, s13;
	v8 =	vld [tilespmem:s12+$0x0]  }
0x5e: {  	v11 =	vld [tilespmem:s13+$0x5000]  }
0x5f: {  	v7 =	vld [tilespmem:s12+$0x10]  }
0x60: {  	v10 =	vld [tilespmem:s12+$0x1010]  }
0x61: {  	v6 =	vld [tilespmem:s12+$0x20]  }
0x62: {  	v9 =	vld [tilespmem:s12+$0x1020]  }
0x63: {  	s13 =	simm.s32 $0x6020;
	v11 =	vadd.s32 v8, v11;
	v8 =	vld [tilespmem:s12+$0x30]  }
0x64: {  	s15 =	simm.s32 $0x40;
	s14 =	simm.s32 $0x0;
	[tilespmem:s13+$0xFFFFFFE0] =	vst v11;
	v11 =	vld [tilespmem:s12+$0x1030];
	s12 =	simm.s32 $0x4040  }
.LBB2_8:
0x65: {  	v12 =	vld [tilespmem:s12+$0x0];
	s16 =	sand.u32 $0x7C0, s15;
	s14 =	sadd.s32 $0x4, s14;
	v7 =	vadd.s32 v7, v10  }
0x66: {  	v13 =	vld [tilespmem:s16+$0x5000];
	p2 =	slt.u32 s14, $0x7C;
	[tilespmem:s13+$0xFFFFFFF0] =	vst v7  }
0x67: {  	v7 =	vld [tilespmem:s12+$0x10];
	v6 =	vadd.s32 v6, v9  }
.Ltmp3:
0x68: {  	v10 =	vld [tilespmem:s12+$0x1010];
	[tilespmem:s13+$0x0] =	vst v6;
	(pc) =	sbr.rel @p2 .LBB2_8-.Ltmp3, $4  }
0x69: {  	v6 =	vld [tilespmem:s12+$0x20];
	v8 =	vadd.s32 v8, v11  }
0x6a: {  	v9 =	vld [tilespmem:s12+$0x1020];
	[tilespmem:s13+$0x10] =	vst v8  }
0x6b: {  	s13 =	sadd.s32 $0x40, s13;
	v11 =	vadd.s32 v12, v13;
	v8 =	vld [tilespmem:s12+$0x30]  }
0x6c: {  	s15 =	sadd.s32 $0x40, s15;
	[tilespmem:s13+$0xFFFFFFE0] =	vst v11;
	v11 =	vld [tilespmem:s12+$0x1030];
	s12 =	sadd.s32 $0x40, s12  }
0x6d: {  	_ =	sdelay $0x1  }
0x6e: {  	v7 =	vadd.s32 v7, v10  }
0x6f: {  	[tilespmem:s13+$0xFFFFFFF0] =	vst v7;
	v6 =	vadd.s32 v6, v9  }
0x70: {  	[tilespmem:s13+$0x0] =	vst v6;
	v6 =	vadd.s32 v8, v11  }
0x71: {  	s29 =	simm.s32 $0x6000;
	[tilespmem:s13+$0x10] =	vst v6  }
0x72: {  	[spmem:s3] =	stream.indirect.scatter.add.s32 [tilespmem:s29], [sflag:$0x1], $0x1000, s10, s8, $0xb8;
	[tilespmem:$0x7280] =	vst v63  }
0x73: {  	_ =	swait.ge [sflag:s8], $0x1000  }
0x74: {  	[sflag:s8] =	ssyncset.done $0x0  }
0x75: {  	[sflag:s8] =	ssyncadd.s32 $0xFFFFF000  }
0x76: {  	[bflag:$0x0] =	sbarrier.arrive $0xFFFF  }
0x77: {  	[tilespmem:s29], [sflag:$0x1] =	stream.linear.gather [spmem:s3], $0x1000, $0x38;
	[tilespmem:$0x7280] =	vst v63  }
0x78: {  	_ =	swait.ge [sflag:s8], $0x1000  }
0x79: {  	[sflag:s8] =	ssyncset.done $0x0  }
0x7a: {  	[sflag:s8] =	ssyncadd.s32 $0xFFFFF000  }
0x7b: {  	[bflag:$0x0] =	sbarrier.arrive $0xFFFF  }
0x7c: {  	v6 =	vld [tilespmem:$0x6000]  }
0x7d: {  	v7 =	vld [tilespmem:$0x6010]  }
0x7e: {  	v8 =	vld [tilespmem:$0x6020]  }
0x7f: {  	v9 =	vld [tilespmem:$0x6030]  }
0x80: {  	v10 =	vld [tilespmem:$0x6040]  }
0x81: {  	v11 =	vld [tilespmem:$0x6050]  }
0x82: {  	v6 =	vadd.s32 v7, v6;
	v7 =	vld [tilespmem:$0x6060]  }
0x83: {  	v6 =	vadd.s32 v8, v6;
	v8 =	vld [tilespmem:$0x6070]  }
0x84: {  	v6 =	vadd.s32 v9, v6;
	v9 =	vld [tilespmem:$0x6080]  }
0x85: {  	v6 =	vadd.s32 v10, v6;
	v10 =	vld [tilespmem:$0x6090]  }
0x86: {  	v6 =	vadd.s32 v11, v6;
	v11 =	vld [tilespmem:$0x60A0]  }
0x87: {  	v6 =	vadd.s32 v7, v6;
	v7 =	vld [tilespmem:$0x60B0]  }
0x88: {  	v6 =	vadd.s32 v8, v6;
	v8 =	vld [tilespmem:$0x60C0]  }
0x89: {  	v6 =	vadd.s32 v6, v9;
	v9 =	vld [tilespmem:$0x60D0]  }
0x8a: {  	v6 =	vadd.s32 v10, v6;
	v10 =	vld [tilespmem:$0x60E0]  }
0x8b: {  	v6 =	vadd.s32 v11, v6;
	v11 =	vld [tilespmem:$0x60F0]  }
0x8c: {  	v6 =	vadd.s32 v7, v6;
	v7 =	vld [tilespmem:$0x6100]  }
0x8d: {  	v6 =	vadd.s32 v8, v6;
	v8 =	vld [tilespmem:$0x6110]  }
0x8e: {  	v6 =	vadd.s32 v9, v6;
	v9 =	vld [tilespmem:$0x6120]  }
0x8f: {  	v6 =	vadd.s32 v10, v6;
	v10 =	vld [tilespmem:$0x6130]  }
0x90: {  	v6 =	vadd.s32 v11, v6;
	v11 =	vld [tilespmem:$0x6140]  }
0x91: {  	v6 =	vadd.s32 v6, v7;
	v7 =	vld [tilespmem:$0x6150]  }
0x92: {  	v6 =	vadd.s32 v8, v6;
	v8 =	vld [tilespmem:$0x6160]  }
0x93: {  	v6 =	vadd.s32 v9, v6;
	v9 =	vld [tilespmem:$0x6170]  }
0x94: {  	v6 =	vadd.s32 v10, v6;
	v10 =	vld [tilespmem:$0x6180]  }
0x95: {  	v6 =	vadd.s32 v11, v6;
	v11 =	vld [tilespmem:$0x6190]  }
0x96: {  	v6 =	vadd.s32 v7, v6;
	v7 =	vld [tilespmem:$0x61A0]  }
0x97: {  	v6 =	vadd.s32 v8, v6;
	v8 =	vld [tilespmem:$0x61B0]  }
0x98: {  	v6 =	vadd.s32 v9, v6;
	v9 =	vld [tilespmem:$0x61C0]  }
0x99: {  	v6 =	vadd.s32 v6, v10;
	v10 =	vld [tilespmem:$0x61D0]  }
0x9a: {  	v6 =	vadd.s32 v11, v6;
	v11 =	vld [tilespmem:$0x61E0]  }
0x9b: {  	v6 =	vadd.s32 v7, v6;
	v7 =	vld [tilespmem:$0x61F0]  }
0x9c: {  	v6 =	vadd.s32 v8, v6;
	v8 =	vld [tilespmem:$0x6200]  }
0x9d: {  	v6 =	vadd.s32 v9, v6;
	v9 =	vld [tilespmem:$0x6210]  }
0x9e: {  	v6 =	vadd.s32 v10, v6;
	v10 =	vld [tilespmem:$0x6220]  }
0x9f: {  	v6 =	vadd.s32 v11, v6;
	v11 =	vld [tilespmem:$0x6230]  }
0xa0: {  	v6 =	vadd.s32 v7, v6;
	v7 =	vld [tilespmem:$0x6240]  }
0xa1: {  	v6 =	vadd.s32 v6, v8;
	v8 =	vld [tilespmem:$0x6250]  }
0xa2: {  	v6 =	vadd.s32 v9, v6;
	v9 =	vld [tilespmem:$0x6260]  }
0xa3: {  	v6 =	vadd.s32 v10, v6;
	v10 =	vld [tilespmem:$0x6270]  }
0xa4: {  	v6 =	vadd.s32 v11, v6;
	v11 =	vld [tilespmem:$0x6280]  }
0xa5: {  	v6 =	vadd.s32 v7, v6;
	v7 =	vld [tilespmem:$0x6290]  }
0xa6: {  	v6 =	vadd.s32 v8, v6;
	v8 =	vld [tilespmem:$0x62A0]  }
0xa7: {  	v6 =	vadd.s32 v9, v6;
	v9 =	vld [tilespmem:$0x62B0]  }
0xa8: {  	v6 =	vadd.s32 v10, v6;
	v10 =	vld [tilespmem:$0x62C0]  }
0xa9: {  	v6 =	vadd.s32 v6, v11;
	v11 =	vld [tilespmem:$0x62D0]  }
0xaa: {  	v6 =	vadd.s32 v7, v6;
	v7 =	vld [tilespmem:$0x62E0]  }
0xab: {  	v6 =	vadd.s32 v8, v6;
	v8 =	vld [tilespmem:$0x62F0]  }
0xac: {  	v6 =	vadd.s32 v9, v6;
	v9 =	vld [tilespmem:$0x6300]  }
0xad: {  	v6 =	vadd.s32 v10, v6;
	v10 =	vld [tilespmem:$0x6310]  }
0xae: {  	v6 =	vadd.s32 v11, v6;
	v11 =	vld [tilespmem:$0x6320]  }
0xaf: {  	v6 =	vadd.s32 v7, v6;
	v7 =	vld [tilespmem:$0x6330]  }
0xb0: {  	v6 =	vadd.s32 v8, v6;
	v8 =	vld [tilespmem:$0x6340]  }
0xb1: {  	v6 =	vadd.s32 v6, v9;
	v9 =	vld [tilespmem:$0x6350]  }
0xb2: {  	v6 =	vadd.s32 v10, v6;
	v10 =	vld [tilespmem:$0x6360]  }
0xb3: {  	v6 =	vadd.s32 v11, v6;
	v11 =	vld [tilespmem:$0x6370]  }
0xb4: {  	v6 =	vadd.s32 v7, v6;
	v7 =	vld [tilespmem:$0x6380]  }
0xb5: {  	v6 =	vadd.s32 v8, v6;
	v8 =	vld [tilespmem:$0x6390]  }
0xb6: {  	v6 =	vadd.s32 v9, v6;
	v9 =	vld [tilespmem:$0x63A0]  }
0xb7: {  	v6 =	vadd.s32 v10, v6;
	v10 =	vld [tilespmem:$0x63B0]  }
0xb8: {  	v6 =	vadd.s32 v11, v6;
	v11 =	vld [tilespmem:$0x63C0]  }
0xb9: {  	v6 =	vadd.s32 v6, v7;
	v7 =	vld [tilespmem:$0x63D0]  }
0xba: {  	v6 =	vadd.s32 v8, v6;
	v8 =	vld [tilespmem:$0x63E0]  }
0xbb: {  	v6 =	vadd.s32 v9, v6;
	v9 =	vld [tilespmem:$0x63F0]  }
0xbc: {  	s12 =	simm.s32 $0x0;
	v6 =	vadd.s32 v10, v6  }
0xbd: {  	s14 =	sand.u32 $0x3E0, s12;
	v10 =	vld [tilespmem:s29+$0x0];
	v6 =	vadd.s32 v11, v6  }
0xbe: {  	v6 =	vadd.s32 v7, v6;
	v7 =	vld [tilespmem:s14+$0x6400]  }
0xbf: {  	v6 =	vadd.s32 v8, v6  }
0xc0: {  	v6 =	vadd.s32 v9, v6  }
0xc1: {  	v8 =	vld [tilespmem:s29+$0x10];
	(xrf0) =	vadd.scan.msk.s32 $0xffff, v6  }
0xc2: {  	v6 =	vld [tilespmem:s29+$0x410];
	(xrf0) =	vadd.scan.msk.s32 $0xffff, v10  }
0xc3: {  	(xrf0) =	vadd.scan.msk.s32 $0xffff, v7;
	_ =	sdelay $0x2  }
0xc4: {  	(xrf0) =	vadd.scan.msk.s32 $0xffff, v8  }
0xc5: {  	(xrf0) =	vadd.scan.msk.s32 $0xffff, v6;
	v6, _, _ =	vpop (xrf0)  }
0xc6: {  	v6 =	vbroadcast v6, $0xF;
	v7, _, _ =	vpop (xrf0)  }
0xc7: {  	v13 =	vimm.s32 $0x0;
	v8, _, _ =	vpop (xrf0)  }
0xc8: {  	v7 =	vadd.s32 v13, v7;
	v6 =	vadd.s32 v6, v8  }
0xc9: {  	v10 =	vperm.xlane v7, v2;
	vm6 =	vle.s32 v7, v5;
	vm8 =	vle.s32 v7, v4  }
0xca: {  	v9, _, _ =	vpop (xrf0);
	v8 =	vperm.xlane v6, v2;
	vm2 =	vle.s32 v6, v4;
	vm4 =	vle.s32 v6, v5  }
0xcb: {  	v17 =	vsel vm8, $0x1, v0;
	v18 =	vnsel vm6, $0x0, v7;
	v23 =	vnsel vm8, $0x0, v7;
	v11, _, _ =	vpop (xrf0)  }
0xcc: {  	s30 =	simm.s32 $0x20;
	s31 =	simm.s32 $0x6020;
	v12 =	vnsel vm2, $0x0, v6;
	v10 =	vadd.s32 v10, v9;
	v8 =	vadd.s32 v8, v11  }
0xcd: {  	s13 =	sand.u32 $0x3E0, s30;
	v17 =	vadd.s32 v17, v13;
	v11 =	vld [tilespmem:s31+$0x0];
	vm3 =	vle.s32 v8, v4;
	vm5 =	vle.s32 v8, v5  }
0xce: {  	v16 =	vperm.xlane v8, v2;
	v9 =	vnsel vm3, $0x0, v8;
	v19 =	vnsel vm5, $0x0, v8;
	v8 =	vld [tilespmem:s13+$0x6400]  }
0xcf: {  	vm8 =	vgt.s32 v13, v18;
	vm7 =	vgt.s32 v13, v12;
	vm9 =	vle.s32 v10, v4  }
0xd0: {  	v20 =	vld [tilespmem:s31+$0x10];
	v15 =	vperm.xlane v10, v2;
	vm10 =	vle.s32 v10, v5;
	v14 =	vnsel vm9, $0x0, v10  }
0xd1: {  	v22 =	vld [tilespmem:s31+$0x410];
	v12 =	vsel vm7, v13, v12;
	v21 =	vsel vm9, $0x1, v0;
	v10 =	vnsel vm10, $0x0, v10  }
0xd2: {  	v7 =	vadd.s32 v21, v17;
	v17 =	vsel vm8, v13, v18;
	vm7 =	vgt.s32 v12, v9;
	(xrf0) =	vadd.scan.msk.s32 $0xffff, v11  }
0xd3: {  	v9 =	vsel vm7, v12, v9;
	vm7 =	vgt.s32 v13, v23;
	v11 =	vsel vm6, $0x1, v0;
	(xrf0) =	vadd.scan.msk.s32 $0xffff, v8  }
0xd4: {  	v18 =	vsel vm4, $0x1, v0;
	v12 =	vadd.s32 v11, v13;
	v8 =	vsel vm7, v13, v23  }
0xd5: {  	vm7 =	vgt.s32 v17, v10;
	vm6 =	vgt.s32 v8, v14;
	(xrf0) =	vadd.scan.msk.s32 $0xffff, v20;
	v20 =	vsel vm10, $0x1, v0  }
0xd6: {  	v11 =	vsel vm6, v8, v14;
	(xrf0) =	vadd.scan.msk.s32 $0xffff, v22;
	v8 =	vadd.s32 v18, v13;
	v12 =	vadd.s32 v20, v12  }
0xd7: {  	v18 =	vsel vm5, $0x1, v0;
	v20 =	vsel vm2, $0x1, v0;
	v14 =	vsel vm7, v17, v10  }
0xd8: {  	v8 =	vadd.s32 v18, v8;
	v17 =	vadd.s32 v20, v13;
	v18 =	vsel vm3, $0x1, v0;
	v10, _, _ =	vpop (xrf0)  }
0xd9: {  	v20 =	vnsel vm4, $0x0, v6;
	v6 =	vadd.s32 v18, v17;
	v15 =	vadd.s32 v15, v10;
	v10, _, _ =	vpop (xrf0)  }
0xda: {  	vm3 =	vgt.s32 v13, v20;
	v17 =	vperm.xlane v15, v2;
	v10 =	vadd.s32 v16, v10  }
0xdb: {  	v13 =	vsel vm3, v13, v20;
	vm4 =	vle.s32 v15, v5;
	v21, _, _ =	vpop (xrf0);
	v16 =	vperm.xlane v10, v2  }
0xdc: {  	vm5 =	vgt.s32 v13, v19;
	vm2 =	vle.s32 v10, v4;
	v17 =	vadd.s32 v17, v21;
	v21, _, _ =	vpop (xrf0)  }
0xdd: {  	vm8 =	vle.s32 v15, v4;
	v18 =	vnsel vm2, $0x0, v10;
	v20 =	vadd.s32 v16, v21  }
0xde: {  	v13 =	vsel vm5, v13, v19;
	vm7 =	vgt.s32 v9, v18;
	vm3 =	vle.s32 v20, v4  }
0xdf: {  	s15 =	simm.s32 $0x6040;
	s14 =	simm.s32 $0x40;
	s13 =	simm.s32 $0x2;
	v16 =	vperm.xlane v20, v2;
	vm5 =	vle.s32 v20, v5;
	v19 =	vnsel vm3, $0x0, v20  }
.LBB2_10:
0xe0: {  	v21 =	vld [tilespmem:s15+$0x0];
	s16 =	sand.u32 $0x3E0, s14;
	s13 =	sadd.s32 $0x2, s13;
	vm6 =	vle.s32 v10, v5;
	vm10 =	vle.s32 v17, v4;
	v22 =	vnsel vm5, $0x0, v20  }
0xe1: {  	v23 =	vperm.xlane v17, v2;
	vm9 =	vle.s32 v17, v5;
	v20 =	vld [tilespmem:s16+$0x6400];
	p2 =	slt.u32 s13, $0x3E;
	v24 =	vnsel vm10, $0x0, v17  }
0xe2: {  	v25 =	vsel vm8, $0x1, v0;
	v26 =	vnsel vm4, $0x0, v15;
	v9 =	vsel vm7, v9, v18  }
0xe3: {  	v7 =	vadd.s32 v25, v7;
	v25 =	vsel vm10, $0x1, v0;
	vm7 =	vgt.s32 v9, v19;
	v18 =	vld [tilespmem:s15+$0x10]  }
0xe4: {  	v15 =	vnsel vm8, $0x0, v15;
	v7 =	vadd.s32 v25, v7;
	v9 =	vsel vm7, v9, v19;
	v27 =	vld [tilespmem:s15+$0x410]  }
0xe5: {  	vm8 =	vgt.s32 v14, v26;
	v17 =	vnsel vm9, $0x0, v17;
	vm7 =	vgt.s32 v11, v15;
	(xrf0) =	vadd.scan.msk.s32 $0xffff, v21  }
0xe6: {  	v14 =	vsel vm8, v14, v26;
	v11 =	vsel vm7, v11, v15;
	v15 =	vsel vm4, $0x1, v0;
	(xrf0) =	vadd.scan.msk.s32 $0xffff, v20  }
0xe7: {  	vm7 =	vgt.s32 v14, v17;
	v12 =	vadd.s32 v15, v12;
	vm4 =	vgt.s32 v11, v24  }
0xe8: {  	v15 =	vsel vm6, $0x1, v0;
	v11 =	vsel vm4, v11, v24;
	(xrf0) =	vadd.scan.msk.s32 $0xffff, v18;
	v18 =	vsel vm9, $0x1, v0  }
0xe9: {  	v19 =	vsel vm5, $0x1, v0;
	v8 =	vadd.s32 v15, v8;
	(xrf0) =	vadd.scan.msk.s32 $0xffff, v27;
	v12 =	vadd.s32 v18, v12  }
0xea: {  	v14 =	vsel vm7, v14, v17;
	v20 =	vsel vm2, $0x1, v0;
	v8 =	vadd.s32 v19, v8  }
0xeb: {  	v17 =	vsel vm3, $0x1, v0;
	v6 =	vadd.s32 v20, v6;
	v15, _, _ =	vpop (xrf0)  }
0xec: {  	v19 =	vnsel vm6, $0x0, v10;
	v6 =	vadd.s32 v17, v6;
	v15 =	vadd.s32 v23, v15;
	v18, _, _ =	vpop (xrf0)  }
0xed: {  	vm3 =	vgt.s32 v13, v19;
	v17 =	vperm.xlane v15, v2;
	v10 =	vadd.s32 v16, v18  }
.Ltmp4:
0xee: {  	vm4 =	vle.s32 v15, v5;
	v16 =	vperm.xlane v10, v2;
	vm2 =	vle.s32 v10, v4;
	v20, _, _ =	vpop (xrf0);
	(pc) =	sbr.rel @p2 .LBB2_10-.Ltmp4, $4  }
0xef: {  	v13 =	vsel vm3, v13, v19;
	v18 =	vnsel vm2, $0x0, v10;
	v17 =	vadd.s32 v17, v20;
	v20, _, _ =	vpop (xrf0)  }
0xf0: {  	vm5 =	vgt.s32 v13, v22;
	vm7 =	vgt.s32 v9, v18;
	v20 =	vadd.s32 v16, v20  }
0xf1: {  	v13 =	vsel vm5, v13, v22;
	v16 =	vperm.xlane v20, v2;
	vm3 =	vle.s32 v20, v4  }
0xf2: {  	s14 =	sadd.s32 $0x20, s14;
	s15 =	sadd.s32 $0x20, s15;
	vm8 =	vle.s32 v15, v4;
	vm5 =	vle.s32 v20, v5;
	v19 =	vnsel vm3, $0x0, v20  }
0xf3: {  	vm6 =	vle.s32 v17, v4  }
0xf4: {  	vm9 =	vle.s32 v10, v5;
	v16 =	vnsel vm5, $0x0, v20;
	vm10 =	vle.s32 v17, v5  }
0xf5: {  	v21 =	vsel vm8, $0x1, v0;
	v22 =	vnsel vm4, $0x0, v15;
	v18 =	vsel vm7, v9, v18  }
0xf6: {  	v15 =	vnsel vm8, $0x0, v15;
	v62 =	vsel vm2, $0x1, v0;
	v63 =	vsel vm3, $0x1, v0  }
0xf7: {  	v59 =	vnsel vm6, $0x0, v17;
	v7 =	vadd.s32 v21, v7;
	v9 =	vsel vm6, $0x1, v0  }
0xf8: {  	vm15 =	vgt.s32 v18, v19;
	vm11 =	vgt.s32 v11, v15;
	vm12 =	vgt.s32 v14, v22  }
0xf9: {  	s14 =	simm.s32 $0x4000;
	v17 =	vnsel vm10, $0x0, v17;
	v60 =	vsel vm10, $0x1, v0;
	v61 =	vnsel vm9, $0x0, v10  }
0xfa: {  	[tilespmem:s14+$0x1030] =	vst v0;
	v9 =	vadd.s32 v9, v7;
	v7 =	vsel vm15, v18, v19;
	v11 =	vsel vm11, v11, v15  }
0xfb: {  	[tilespmem:s14+$0x30] =	vst v0;
	v15 =	vsel vm4, $0x1, v0;
	v14 =	vsel vm12, v14, v22;
	vm15 =	vgt.s32 v13, v61  }
0xfc: {  	[tilespmem:s14+$0x1020] =	vst v0;
	v12 =	vadd.s32 v15, v12;
	vm13 =	vgt.s32 v11, v59;
	v15 =	vsel vm9, $0x1, v0  }
0xfd: {  	[tilespmem:s14+$0x20] =	vst v0;
	vm14 =	vgt.s32 v14, v17;
	v11 =	vsel vm13, v11, v59;
	v15 =	vadd.s32 v15, v8  }
0xfe: {  	[tilespmem:s14+$0x1010] =	vst v0;
	v8 =	vadd.s32 v60, v12;
	v10 =	vsel vm14, v14, v17;
	v14 =	vsel vm15, v13, v61  }
0xff: {  	[tilespmem:s14+$0x10] =	vst v0;
	v12 =	vsel vm5, $0x1, v0;
	v13 =	vadd.s32 v62, v6;
	vm2 =	vgt.s32 v14, v16  }
0x100: {  	s15 =	simm.s32 $0x0;
	s16 =	sand.u32 $0xFC0, s12;
	[tilespmem:s14+$0x0] =	vst v0;
	v6 =	vadd.s32 v12, v15;
	v13 =	vadd.s32 v63, v13;
	v12 =	vsel vm2, v14, v16  }
.LBB2_12:
0x101: {  	s15 =	sadd.s32 $0x4, s15;
	[tilespmem:s16+$0x5000] =	vst v0;
	s12 =	sadd.s32 $0x40, s12;
	s14 =	sadd.s32 $0x40, s14  }
0x102: {  	[tilespmem:s14+$0x1030] =	vst v0;
	p2 =	slt.u32 s15, $0xFC  }
0x103: {  	[tilespmem:s14+$0x30] =	vst v0  }
.Ltmp5:
0x104: {  	[tilespmem:s14+$0x1020] =	vst v0;
	(pc) =	sbr.rel @p2 .LBB2_12-.Ltmp5, $4  }
0x105: {  	[tilespmem:s14+$0x20] =	vst v0  }
0x106: {  	[tilespmem:s14+$0x1010] =	vst v0  }
0x107: {  	[tilespmem:s14+$0x10] =	vst v0  }
0x108: {  	s13 =	simm.s32 $0x6040;
	s16 =	sand.u32 $0xFC0, s12;
	[tilespmem:s14+$0x0] =	vst v0  }
0x109: {  	[tilespmem:s16+$0x5000] =	vst v0  }
0x10a: {  	[tilespmem:s13+$0xFFFFFFC0] =	vst v0  }
0x10b: {  	[tilespmem:s13+$0x30] =	vst v0  }
0x10c: {  	[tilespmem:s13+$0x20] =	vst v0  }
0x10d: {  	[tilespmem:s13+$0x10] =	vst v0  }
0x10e: {  	[tilespmem:s13+$0x0] =	vst v0  }
0x10f: {  	[tilespmem:s13+$0xFFFFFFF0] =	vst v0  }
0x110: {  	s12 =	simm.s32 $0x0;
	[tilespmem:s13+$0xFFFFFFE0] =	vst v0  }
.LBB2_14:
0x111: {  	s12 =	sadd.s32 $0x8, s12;
	[tilespmem:s13+$0xFFFFFFD0] =	vst v0;
	s13 =	sadd.s32 $0x80, s13  }
0x112: {  	[tilespmem:s13+$0xFFFFFFC0] =	vst v0;
	p2 =	slt.u32 s12, $0xF8  }
0x113: {  	[tilespmem:s13+$0x30] =	vst v0  }
.Ltmp6:
0x114: {  	[tilespmem:s13+$0x20] =	vst v0;
	(pc) =	sbr.rel @p2 .LBB2_14-.Ltmp6, $4  }
0x115: {  	[tilespmem:s13+$0x10] =	vst v0  }
0x116: {  	[tilespmem:s13+$0x0] =	vst v0  }
0x117: {  	[tilespmem:s13+$0xFFFFFFF0] =	vst v0  }
0x118: {  	[tilespmem:s13+$0xFFFFFFE0] =	vst v0  }
0x119: {  	(xrf0) =	vadd.scan.msk.s32 $0xffff, v9;
	v9 =	vxor.u32 $0x80000000, v11  }
0x11a: {  	(xrf0) =	vmax.scan.msk.u32 $0xffff, v9  }
0x11b: {  	(xrf0) =	vadd.scan.msk.s32 $0xffff, v8;
	v8 =	vxor.u32 $0x80000000, v10  }
0x11c: {  	v7 =	vxor.u32 $0x80000000, v7;
	(xrf0) =	vmax.scan.msk.u32 $0xffff, v8  }
0x11d: {  	(xrf0) =	vadd.scan.msk.s32 $0xffff, v13  }
0x11e: {  	(xrf0) =	vmax.scan.msk.u32 $0xffff, v7  }
0x11f: {  	v7, _, _ =	vpop (xrf0);
	(xrf0) =	vadd.scan.msk.s32 $0xffff, v6;
	v6 =	vxor.u32 $0x80000000, v12  }
0x120: {  	v4 =	vxor.u32 $0x80000000, v4  }
0x121: {  	(v2sf) =	vpush v7, $0xF;
	v7, _, _ =	vpop (xrf0);
	(xrf0) =	vmax.scan.msk.u32 $0xffff, v6  }
0x122: {  	v5 =	vxor.u32 $0x80000000, v5;
	(v2sf) =	vpush v7, $0xF;
	v6, _, _ =	vpop (xrf0);
	(xrf0) =	vmax.scan.msk.u32 $0xffff, v4  }
0x123: {  	v4, _, _ =	vpop (xrf0);
	(v2sf) =	vpush v6, $0xF;
	(xrf0) =	vmax.scan.msk.u32 $0xffff, v5  }
0x124: {  	(v2sf) =	vpush v4, $0xF;
	v4, _, _ =	vpop (xrf0)  }
0x125: {  	v5, _, _ =	vpop (xrf0);
	(v2sf) =	vpush v4, $0xF  }
0x126: {  	v4, _, _ =	vpop (xrf0);
	(v2sf) =	vpush v5, $0xF  }
0x127: {  	v5, _, _ =	vpop (xrf0);
	(v2sf) =	vpush v4, $0xF  }
0x128: {  	v4, _, _ =	vpop (xrf0);
	(v2sf) =	vpush v5, $0xF  }
0x129: {  	(v2sf) =	vpush v4, $0xF;
	v4, _, _ =	vpop (xrf0)  }
0x12a: {  	(v2sf) =	vpush v4, $0xF;
	_ =	sdelay $0x3  }
0x12b: {  	[tilespmem:s13+$0xFFFFFFD0] =	vst v0;
	s13 =	simm.s32 @!p0 $0x6000  }
0x12c: {  	[spmem:s3] =	stream.linear.scatter @!p0 [tilespmem:s13], [sflag:$0x1], $0x1000, $0x38;
	[tilespmem:$0x7280] =	vst v63  }
0x12d: {  	s12 =	spop (v2sf)  }
0x12e: {  	s14 =	spop (v2sf)  }
0x12f: {  	s15 =	spop (v2sf)  }
0x130: {  	s16 =	spop (v2sf)  }
0x131: {  	s17 =	spop (v2sf)  }
0x132: {  	s18 =	spop (v2sf)  }
0x133: {  	s19 =	spop (v2sf)  }
0x134: {  	s20 =	spop (v2sf)  }
0x135: {  	s21 =	spop (v2sf)  }
0x136: {  	s13 =	simm.s32 @!p0 $0x1;
	s22 =	spop (v2sf)  }
0x137: {  	_ =	swait.ge @!p0 [sflag:s13], $0x1000  }
0x138: {  	[sflag:s13] =	ssyncset.done @!p0 $0x0  }
0x139: {  	[sflag:s13] =	ssyncadd.s32 @!p0 $0xFFFFF000  }
0x13a: {  	s28 =	simm.s32 $0x10;
	[bflag:$0x0] =	sbarrier.arrive $0xFFFF  }
0x13b: {  	v5 =	vld [tilespmem:s28+$0x0];
	_ =	sdelay $0x2  }
0x13c: {  	s29 =	simm.s32 $0x30;
	v7 =	vld [tilespmem:s28+$0xFFFFFFF0]  }
0x13d: {  	s12 =	sadd.s32 s12, s17;
	v11 =	vld [tilespmem:s29+$0x0]  }
0x13e: {  	v4 =	vmov s12;
	s13 =	sadd.s32 s15, s19;
	v6 =	vshra.s32 v5, $0x14;
	v8 =	vshrl.u32 v5, $0x9  }
0x13f: {  	v5 =	vmov s13;
	vm4 =	veq.s32 v6, v4;
	v8 =	vand.u32 $0x7FF, v8  }
0x140: {  	s14 =	sxor.u32 $0x80000000, s14;
	s17 =	sxor.u32 $0x80000000, s18;
	v10 =	vld [tilespmem:s29+$0xFFFFFFF0];
	vm5 =	veq.s32 v6, v5;
	v13 =	vor.u32 $0x1000, v8  }
0x141: {  	p2 =	sgt.s32 s14, s17;
	v9 =	vshra.s32 v7, $0x14;
	v14 =	vor.u32 $0x1800, v8  }
0x142: {  	s16 =	sxor.u32 $0x80000000, s16;
	s17 =	smov.u32 @p2 s14;
	s15 =	sxor.u32 $0x80000000, s20;
	v12 =	vshra.s32 v11, $0x14;
	vm2 =	veq.s32 v9, v4  }
0x143: {  	s30 =	sxor.u32 $0x80000000, s21;
	s31 =	sxor.u32 $0x80000000, s22;
	p2 =	sgt.s32 s16, s15;
	vm3 =	veq.s32 v9, v5;
	v8 =	vshrl.u32 v7, $0x9;
	vm2 =	vmmov vm2  }
0x144: {  	s14 =	ssub.s32 s30, s17;
	s15 =	smov.u32 @p2 s16;
	s16 =	simm.s32 $0x4000;
	v15 =	vshrl.u32 v11, $0x9;
	vm3 =	vmmov vm3;
	v8 =	vand.u32 $0x7FF, v8  }
0x145: {  	s15 =	ssub.s32 s31, s15;
	v11 =	vshrl.u32 v10, $0x9;
	v6 =	vmov s14;
	v9 =	vor.u32 $0x800, v8;
	[tilespmem:v13+s16+$0x0] =	vst.idx.add.s32.msk vm4, v1  }
0x146: {  	s18 =	simm.s32 $0x50;
	s17 =	simm.s32 $0x2;
	v7 =	vmov s15;
	vm4 =	veq.s32 v12, v4;
	v13 =	vand.u32 $0x7FF, v15;
	[tilespmem:v14+s16+$0x0] =	vst.idx.add.s32.msk vm5, v1  }
.LBB2_16:
0x147: {  	v14 =	vld [tilespmem:s18+$0x0];
	v15 =	vshra.s32 v10, $0x14;
	v16 =	vor.u32 $0x1000, v13;
	vm5 =	veq.s32 v12, v5;
	s17 =	sadd.s32 $0x2, s17  }
0x148: {  	v11 =	vand.u32 $0x7FF, v11;
	v17 =	vor.u32 $0x1800, v13;
	v10 =	vld [tilespmem:s18+$0xFFFFFFF0];
	vm6 =	veq.s32 v15, v4;
	p2 =	slt.u32 s17, $0x3FE  }
.Ltmp7:
0x149: {  	vm7 =	veq.s32 v15, v5;
	v12 =	vor.u32 $0x800, v11;
	[tilespmem:v8+s16+$0x0] =	vst.idx.add.s32.msk vm2, v1;
	v8 =	vmovc v11;
	vm2 =	vmmov vm6;
	(pc) =	sbr.rel @p2 .LBB2_16-.Ltmp7, $3  }
0x14a: {  	[tilespmem:v9+s16+$0x0] =	vst.idx.add.s32.msk vm3, v1;
	v9 =	vmov v12;
	vm3 =	vmmov vm7;
	_ =	sdelay $0x1  }
0x14b: {  	v12 =	vshra.s32 v14, $0x14;
	v13 =	vshrl.u32 v14, $0x9;
	[tilespmem:v16+s16+$0x0] =	vst.idx.add.s32.msk vm4, v1  }
0x14c: {  	s18 =	sadd.s32 $0x20, s18;
	v11 =	vshrl.u32 v10, $0x9;
	vm4 =	veq.s32 v12, v4;
	v13 =	vand.u32 $0x7FF, v13;
	[tilespmem:v17+s16+$0x0] =	vst.idx.add.s32.msk vm5, v1  }
0x14d: {  	_ = 	snop  }
0x14e: {  	v10 =	vshra.s32 v10, $0x14  }
0x14f: {  	v14 =	vor.u32 $0x1000, v13;
	vm5 =	veq.s32 v12, v5;
	vm6 =	veq.s32 v10, v4  }
0x150: {  	v12 =	vor.u32 $0x1800, v13;
	vm7 =	veq.s32 v10, v5;
	vm6 =	vmmov vm6  }
0x151: {  	v10 =	vand.u32 $0x7FF, v11;
	vm7 =	vmmov vm7  }
0x152: {  	[tilespmem:v8+s16+$0x0] =	vst.idx.add.s32.msk vm2, v1;
	v11 =	vor.u32 $0x800, v10  }
0x153: {  	s20 =	simm.s32 $0x4000;
	[tilespmem:v9+s16+$0x0] =	vst.idx.add.s32.msk vm3, v1  }
0x154: {  	[tilespmem:v14+s20+$0x0] =	vst.idx.add.s32.msk vm4, v1  }
0x155: {  	[tilespmem:v12+s20+$0x0] =	vst.idx.add.s32.msk vm5, v1  }
0x156: {  	[tilespmem:v10+s20+$0x0] =	vst.idx.add.s32.msk vm6, v1  }
0x157: {  	s16 =	simm.s32 $0x0;
	[tilespmem:v11+s20+$0x0] =	vst.idx.add.s32.msk vm7, v1  }
0x158: {  	s17 =	sand.u32 $0xFC0, s16;
	v11 =	vld [tilespmem:s20+$0x0]  }
0x159: {  	v13 =	vld [tilespmem:s17+$0x5000]  }
0x15a: {  	p2 =	por $0x1, $0x1;
	v9 =	vld [tilespmem:s20+$0x10]  }
.Ltmp8:
0x15b: {  	v12 =	vld [tilespmem:s20+$0x1010];
	(pc) =	sbr.rel @!p2 .LBB2_19-.Ltmp8, $4  }
0x15c: {  	v8 =	vld [tilespmem:s20+$0x20]  }
0x15d: {  	v10 =	vld [tilespmem:s20+$0x1020]  }
0x15e: {  	s18 =	simm.s32 $0x6020;
	v13 =	vadd.s32 v11, v13;
	v11 =	vld [tilespmem:s20+$0x30]  }
0x15f: {  	s19 =	simm.s32 $0x0;
	s21 =	simm.s32 $0x40;
	[tilespmem:s18+$0xFFFFFFE0] =	vst v13;
	v13 =	vld [tilespmem:s20+$0x1030];
	s20 =	simm.s32 $0x4040  }
.LBB2_18:
0x160: {  	v14 =	vld [tilespmem:s20+$0x0];
	s22 =	sand.u32 $0xFC0, s21;
	s19 =	sadd.s32 $0x4, s19;
	v9 =	vadd.s32 v9, v12  }
0x161: {  	v15 =	vld [tilespmem:s22+$0x5000];
	p2 =	slt.u32 s19, $0xFC;
	[tilespmem:s18+$0xFFFFFFF0] =	vst v9  }
0x162: {  	v9 =	vld [tilespmem:s20+$0x10];
	v8 =	vadd.s32 v8, v10  }
.Ltmp9:
0x163: {  	v12 =	vld [tilespmem:s20+$0x1010];
	[tilespmem:s18+$0x0] =	vst v8;
	(pc) =	sbr.rel @p2 .LBB2_18-.Ltmp9, $4  }
0x164: {  	v8 =	vld [tilespmem:s20+$0x20];
	v11 =	vadd.s32 v11, v13  }
0x165: {  	v10 =	vld [tilespmem:s20+$0x1020];
	[tilespmem:s18+$0x10] =	vst v11  }
0x166: {  	s18 =	sadd.s32 $0x40, s18;
	v13 =	vadd.s32 v14, v15;
	v11 =	vld [tilespmem:s20+$0x30]  }
0x167: {  	s21 =	sadd.s32 $0x40, s21;
	[tilespmem:s18+$0xFFFFFFE0] =	vst v13;
	v13 =	vld [tilespmem:s20+$0x1030];
	s20 =	sadd.s32 $0x40, s20  }
.LBB2_19:
0x168: {  	_ =	sdelay $0x1  }
0x169: {  	v9 =	vadd.s32 v9, v12  }
0x16a: {  	[tilespmem:s18+$0xFFFFFFF0] =	vst v9;
	v8 =	vadd.s32 v8, v10  }
0x16b: {  	[tilespmem:s18+$0x0] =	vst v8;
	v8 =	vadd.s32 v11, v13  }
0x16c: {  	s29 =	simm.s32 $0x6000;
	[tilespmem:s18+$0x10] =	vst v8  }
0x16d: {  	[spmem:s3] =	stream.indirect.scatter.add.s32 [tilespmem:s29], [sflag:$0x1], $0x1000, s10, s8, $0xb8;
	[tilespmem:$0x7280] =	vst v63  }
0x16e: {  	_ =	swait.ge [sflag:s8], $0x1000  }
0x16f: {  	[sflag:s8] =	ssyncset.done $0x0  }
0x170: {  	[sflag:s8] =	ssyncadd.s32 $0xFFFFF000  }
0x171: {  	[bflag:$0x0] =	sbarrier.arrive $0xFFFF  }
0x172: {  	[tilespmem:s29], [sflag:$0x1] =	stream.linear.gather [spmem:s3], $0x1000, $0x38;
	[tilespmem:$0x7280] =	vst v63  }
0x173: {  	_ =	swait.ge [sflag:s8], $0x1000  }
0x174: {  	[sflag:s8] =	ssyncset.done $0x0  }
0x175: {  	[sflag:s8] =	ssyncadd.s32 $0xFFFFF000  }
0x176: {  	[bflag:$0x0] =	sbarrier.arrive $0xFFFF  }
0x177: {  	v8 =	vld [tilespmem:s29+$0x0]  }
0x178: {  	s19 =	sand.u32 $0x7E0, s16  }
0x179: {  	v9 =	vld [tilespmem:s19+$0x6800];
	_ =	sdelay $0x1  }
0x17a: {  	v10 =	vld [tilespmem:s29+$0x10]  }
0x17b: {  	(xrf0) =	vadd.scan.msk.s32 $0xffff, v8  }
0x17c: {  	v11 =	vld [tilespmem:s29+$0x810]  }
0x17d: {  	(xrf0) =	vadd.scan.msk.s32 $0xffff, v9;
	_ =	sdelay $0x1  }
0x17e: {  	(xrf0) =	vadd.scan.msk.s32 $0xffff, v10;
	_ =	sdelay $0x1  }
0x17f: {  	v14 =	vimm.s32 $0x0;
	s30 =	simm.s32 $0x20;
	s31 =	simm.s32 $0x6020;
	(xrf0) =	vadd.scan.msk.s32 $0xffff, v11;
	v8, _, _ =	vpop (xrf0)  }
0x180: {  	s18 =	sand.u32 $0x7E0, s30;
	v11 =	vld [tilespmem:s31+$0x0];
	v8 =	vadd.s32 v14, v8  }
0x181: {  	v12 =	vld [tilespmem:s18+$0x6800];
	v9, _, _ =	vpop (xrf0);
	v10 =	vperm.xlane v8, v2  }
0x182: {  	v16 =	vld [tilespmem:s31+$0x10];
	vm2 =	vle.s32 v8, v6;
	v9 =	vadd.s32 v14, v9  }
0x183: {  	v15, _, _ =	vpop (xrf0);
	v8 =	vnsel vm2, $0x0, v8;
	v13 =	vperm.xlane v9, v2;
	vm3 =	vle.s32 v9, v7  }
0x184: {  	v17 =	vsel vm2, $0x1, v0;
	v18 =	vnsel vm3, $0x0, v9;
	v19 =	vadd.s32 v10, v15;
	v15 =	vld [tilespmem:s31+$0x810]  }
0x185: {  	v9 =	vadd.s32 v17, v14;
	vm4 =	vgt.s32 v14, v8;
	vm2 =	vgt.s32 v14, v18;
	v10, _, _ =	vpop (xrf0);
	(xrf0) =	vadd.scan.msk.s32 $0xffff, v11  }
0x186: {  	v17 =	vsel vm2, v14, v18;
	v13 =	vadd.s32 v13, v10;
	(xrf0) =	vadd.scan.msk.s32 $0xffff, v12;
	v12 =	vsel vm4, v14, v8  }
0x187: {  	v10 =	vperm.xlane v13, v2;
	vm2 =	vle.s32 v13, v7;
	(xrf0) =	vadd.scan.msk.s32 $0xffff, v16;
	v16 =	vsel vm3, $0x1, v0  }
0x188: {  	v63 =	vnsel vm2, $0x0, v13;
	v11 =	vsel vm2, $0x1, v0;
	vm2 =	vle.s32 v19, v6  }
0x189: {  	(xrf0) =	vadd.scan.msk.s32 $0xffff, v15;
	v15 =	vadd.s32 v16, v14;
	vm4 =	vgt.s32 v17, v63;
	v13 =	vnsel vm2, $0x0, v19  }
0x18a: {  	s20 =	simm.s32 $0x6040;
	s18 =	simm.s32 $0x2;
	s19 =	simm.s32 $0x40;
	v14 =	vperm.xlane v19, v2;
	v8 =	vsel vm4, v17, v63;
	vm3 =	vgt.s32 v12, v13  }
.LBB2_20:
0x18b: {  	v16 =	vld [tilespmem:s20+$0x0];
	s21 =	sand.u32 $0x7E0, s19;
	s18 =	sadd.s32 $0x2, s18;
	v17, _, _ =	vpop (xrf0);
	v18 =	vsel vm2, $0x1, v0;
	v12 =	vsel vm3, v12, v13;
	v15 =	vadd.s32 v11, v15  }
0x18c: {  	v11 =	vld [tilespmem:s21+$0x6800];
	p2 =	slt.u32 s18, $0x7E;
	v13 =	vadd.s32 v14, v17;
	v14, _, _ =	vpop (xrf0);
	v9 =	vadd.s32 v18, v9  }
0x18d: {  	v17 =	vperm.xlane v13, v2;
	vm2 =	vle.s32 v13, v6;
	v10 =	vadd.s32 v10, v14  }
0x18e: {  	v14 =	vld [tilespmem:s20+$0x10];
	v13 =	vnsel vm2, $0x0, v13;
	v18 =	vperm.xlane v10, v2;
	vm3 =	vle.s32 v10, v7;
	v19, _, _ =	vpop (xrf0)  }
0x18f: {  	v21 =	vsel vm2, $0x1, v0;
	v20 =	vld [tilespmem:s20+$0x810];
	v10 =	vnsel vm3, $0x0, v10;
	v17 =	vadd.s32 v17, v19;
	v19, _, _ =	vpop (xrf0)  }
0x190: {  	v9 =	vadd.s32 v21, v9;
	(xrf0) =	vadd.scan.msk.s32 $0xffff, v16;
	vm2 =	vgt.s32 v8, v10;
	v16 =	vadd.s32 v18, v19  }
.Ltmp10:
0x191: {  	(xrf0) =	vadd.scan.msk.s32 $0xffff, v11;
	v8 =	vsel vm2, v8, v10;
	v10 =	vperm.xlane v16, v2;
	vm2 =	vle.s32 v16, v7;
	(pc) =	sbr.rel @p2 .LBB2_20-.Ltmp10, $4  }
0x192: {  	vm4 =	vgt.s32 v12, v13;
	v11 =	vsel vm2, $0x1, v0;
	v16 =	vnsel vm2, $0x0, v16  }
0x193: {  	v12 =	vsel vm4, v12, v13;
	vm2 =	vle.s32 v17, v6;
	(xrf0) =	vadd.scan.msk.s32 $0xffff, v14;
	vm4 =	vgt.s32 v8, v16  }
0x194: {  	v14 =	vsel vm3, $0x1, v0;
	v13 =	vnsel vm2, $0x0, v17;
	(xrf0) =	vadd.scan.msk.s32 $0xffff, v20;
	v8 =	vsel vm4, v8, v16  }
0x195: {  	s19 =	sadd.s32 $0x20, s19;
	s20 =	sadd.s32 $0x20, s20;
	v15 =	vadd.s32 v14, v15;
	v14 =	vperm.xlane v17, v2;
	vm3 =	vgt.s32 v12, v13  }
0x196: {  	v16, _, _ =	vpop (xrf0);
	v17 =	vsel vm2, $0x1, v0  }
0x197: {  	v12 =	vsel vm3, v12, v13;
	v11 =	vadd.s32 v11, v15;
	v56 =	vadd.s32 v14, v16;
	v57, _, _ =	vpop (xrf0)  }
0x198: {  	v9 =	vadd.s32 v17, v9;
	v58 =	vperm.xlane v56, v2;
	v10 =	vadd.s32 v10, v57  }
0x199: {  	vm2 =	vle.s32 v56, v6;
	v14 =	vperm.xlane v10, v2;
	vm3 =	vle.s32 v10, v7;
	v59, _, _ =	vpop (xrf0)  }
0x19a: {  	s18 =	simm.s32 $0x4000;
	v13 =	vnsel vm2, $0x0, v56;
	v61 =	vsel vm2, $0x1, v0;
	v10 =	vnsel vm3, $0x0, v10;
	v60, _, _ =	vpop (xrf0)  }
0x19b: {  	[tilespmem:s18+$0x1030] =	vst v0;
	v15 =	vadd.s32 v58, v59;
	v14 =	vadd.s32 v14, v60;
	vm2 =	vgt.s32 v8, v10  }
0x19c: {  	[tilespmem:s18+$0x30] =	vst v0;
	v9 =	vadd.s32 v61, v9;
	v8 =	vsel vm2, v8, v10;
	vm2 =	vle.s32 v14, v7  }
0x19d: {  	[tilespmem:s18+$0x1020] =	vst v0;
	vm4 =	vgt.s32 v12, v13;
	v62 =	vsel vm3, $0x1, v0;
	v10 =	vnsel vm2, $0x0, v14  }
0x19e: {  	[tilespmem:s18+$0x20] =	vst v0;
	v7 =	vsel vm2, $0x1, v0;
	vm2 =	vle.s32 v15, v6;
	vm15 =	vgt.s32 v8, v10  }
0x19f: {  	[tilespmem:s18+$0x1010] =	vst v0;
	v12 =	vsel vm4, v12, v13;
	v63 =	vnsel vm2, $0x0, v15;
	v6 =	vsel vm15, v8, v10  }
0x1a0: {  	[tilespmem:s18+$0x10] =	vst v0;
	v10 =	vadd.s32 v62, v11;
	vm3 =	vgt.s32 v12, v63;
	v11 =	vsel vm2, $0x1, v0  }
0x1a1: {  	s20 =	simm.s32 $0x0;
	[tilespmem:s18+$0x0] =	vst v0;
	v8 =	vsel vm3, v12, v63;
	v7 =	vadd.s32 v7, v10;
	v9 =	vadd.s32 v11, v9  }
.LBB2_22:
0x1a2: {  	s20 =	sadd.s32 $0x4, s20;
	[tilespmem:s17+$0x5000] =	vst v0;
	s16 =	sadd.s32 $0x40, s16;
	s18 =	sadd.s32 $0x40, s18  }
0x1a3: {  	[tilespmem:s18+$0x1030] =	vst v0;
	p2 =	slt.u32 s20, $0xFC  }
0x1a4: {  	[tilespmem:s18+$0x30] =	vst v0  }
.Ltmp11:
0x1a5: {  	[tilespmem:s18+$0x1020] =	vst v0;
	(pc) =	sbr.rel @p2 .LBB2_22-.Ltmp11, $4  }
0x1a6: {  	[tilespmem:s18+$0x20] =	vst v0  }
0x1a7: {  	[tilespmem:s18+$0x1010] =	vst v0  }
0x1a8: {  	[tilespmem:s18+$0x10] =	vst v0  }
0x1a9: {  	s19 =	simm.s32 $0x6040;
	s17 =	sand.u32 $0xFC0, s16;
	[tilespmem:s18+$0x0] =	vst v0  }
0x1aa: {  	[tilespmem:s17+$0x5000] =	vst v0  }
0x1ab: {  	[tilespmem:s19+$0xFFFFFFC0] =	vst v0  }
0x1ac: {  	[tilespmem:s19+$0x30] =	vst v0  }
0x1ad: {  	[tilespmem:s19+$0x20] =	vst v0  }
0x1ae: {  	[tilespmem:s19+$0x10] =	vst v0  }
0x1af: {  	[tilespmem:s19+$0x0] =	vst v0  }
0x1b0: {  	[tilespmem:s19+$0xFFFFFFF0] =	vst v0  }
0x1b1: {  	s16 =	simm.s32 $0x0;
	[tilespmem:s19+$0xFFFFFFE0] =	vst v0  }
.LBB2_24:
0x1b2: {  	s16 =	sadd.s32 $0x8, s16;
	[tilespmem:s19+$0xFFFFFFD0] =	vst v0;
	s19 =	sadd.s32 $0x80, s19  }
0x1b3: {  	[tilespmem:s19+$0xFFFFFFC0] =	vst v0;
	p2 =	slt.u32 s16, $0xF8  }
0x1b4: {  	[tilespmem:s19+$0x30] =	vst v0  }
.Ltmp12:
0x1b5: {  	[tilespmem:s19+$0x20] =	vst v0;
	(pc) =	sbr.rel @p2 .LBB2_24-.Ltmp12, $4  }
0x1b6: {  	[tilespmem:s19+$0x10] =	vst v0  }
0x1b7: {  	[tilespmem:s19+$0x0] =	vst v0  }
0x1b8: {  	[tilespmem:s19+$0xFFFFFFF0] =	vst v0  }
0x1b9: {  	[tilespmem:s19+$0xFFFFFFE0] =	vst v0  }
0x1ba: {  	(xrf0) =	vadd.scan.msk.s32 $0xffff, v9;
	v8 =	vxor.u32 $0x80000000, v8  }
0x1bb: {  	(xrf0) =	vmax.scan.msk.u32 $0xffff, v8  }
0x1bc: {  	v6 =	vxor.u32 $0x80000000, v6;
	(xrf0) =	vadd.scan.msk.s32 $0xffff, v7  }
0x1bd: {  	(xrf0) =	vmax.scan.msk.u32 $0xffff, v6;
	_ =	sdelay $0x2  }
0x1be: {  	v8, _, _ =	vpop (xrf0)  }
0x1bf: {  	v6, _, _ =	vpop (xrf0);
	(v2sf) =	vpush v8, $0xF  }
0x1c0: {  	v10, _, _ =	vpop (xrf0);
	(v2sf) =	vpush v6, $0xF  }
0x1c1: {  	(v2sf) =	vpush v10, $0xF;
	v6, _, _ =	vpop (xrf0)  }
0x1c2: {  	(v2sf) =	vpush v6, $0xF;
	_ =	sdelay $0x9  }
0x1c3: {  	[tilespmem:s19+$0xFFFFFFD0] =	vst v0;
	s19 =	simm.s32 @!p0 $0x6000  }
0x1c4: {  	[spmem:s3] =	stream.linear.scatter @!p0 [tilespmem:s19], [sflag:$0x1], $0x1000, $0x38;
	[tilespmem:$0x7280] =	vst v63  }
0x1c5: {  	s16 =	spop (v2sf)  }
0x1c6: {  	s18 =	spop (v2sf)  }
0x1c7: {  	s17 =	spop (v2sf)  }
0x1c8: {  	s20 =	simm.s32 @!p0 $0x1;
	s26 =	spop (v2sf)  }
0x1c9: {  	_ =	swait.ge @!p0 [sflag:s20], $0x1000  }
0x1ca: {  	[sflag:s20] =	ssyncset.done @!p0 $0x0  }
0x1cb: {  	[sflag:s20] =	ssyncadd.s32 @!p0 $0xFFFFF000  }
0x1cc: {  	s28 =	simm.s32 $0x10;
	[bflag:$0x0] =	sbarrier.arrive $0xFFFF  }
0x1cd: {  	v11 =	vld [tilespmem:s28+$0x0];
	_ =	sdelay $0x2  }
0x1ce: {  	s18 =	sxor.u32 $0x80000000, s18  }
0x1cf: {  	v9 =	vbroadcast v8, $0xF;
	s14 =	ssub.s32 s14, s18;
	s29 =	sxor.u32 $0x80000000, s26;
	v12 =	vld [tilespmem:s28+$0xFFFFFFF0]  }
0x1d0: {  	s31 =	simm.s32 $0x30;
	v8 =	vbroadcast v10, $0xF;
	v7 =	vmov s14;
	s30 =	ssub.s32 s15, s29;
	v13 =	vshrl.u32 v11, $0x9  }
0x1d1: {  	v6 =	vmov s30;
	v14 =	vld [tilespmem:s31+$0x0];
	v10 =	vshra.s32 v11, $0x14;
	v13 =	vand.u32 $0x7FF, v13  }
0x1d2: {  	v11 =	vand.u32 $0x1FF, v11;
	vm2 =	veq.s32 v10, v4;
	vm3 =	veq.s32 v13, v9  }
0x1d3: {  	vm4 =	vmand vm2, vm3;
	vm2 =	veq.s32 v10, v5;
	vm3 =	veq.s32 v13, v8  }
0x1d4: {  	v17 =	vor.u32 $0x1000, v11;
	v13 =	vshrl.u32 v12, $0x9;
	vm6 =	vmand vm2, vm3  }
0x1d5: {  	v15 =	vshra.s32 v12, $0x14;
	v18 =	vor.u32 $0x1800, v11;
	v10 =	vld [tilespmem:s31+$0xFFFFFFF0];
	v13 =	vand.u32 $0x7FF, v13  }
0x1d6: {  	v16 =	vshrl.u32 v14, $0x9;
	vm3 =	veq.s32 v15, v4;
	vm2 =	veq.s32 v13, v9  }
0x1d7: {  	vm5 =	veq.s32 v15, v5;
	v12 =	vand.u32 $0x1FF, v12;
	vm3 =	vmand vm3, vm2  }
0x1d8: {  	s14 =	simm.s32 $0x4000;
	v16 =	vand.u32 $0x7FF, v16;
	v11 =	vor.u32 $0x800, v12;
	vm7 =	veq.s32 v13, v8  }
0x1d9: {  	v15 =	vshra.s32 v14, $0x14;
	v14 =	vand.u32 $0x1FF, v14;
	vm2 =	vmand vm5, vm7;
	[tilespmem:v17+s14+$0x0] =	vst.idx.add.s32.msk vm4, v1  }
0x1da: {  	s18 =	simm.s32 $0x50;
	s15 =	simm.s32 $0x2;
	vm5 =	veq.s32 v16, v9;
	v13 =	vshrl.u32 v10, $0x9;
	vm4 =	veq.s32 v15, v4;
	[tilespmem:v18+s14+$0x0] =	vst.idx.add.s32.msk vm6, v1  }
.LBB2_26:
0x1db: {  	v17 =	vld [tilespmem:s18+$0x0];
	vm4 =	vmand vm4, vm5;
	vm5 =	veq.s32 v15, v5;
	vm6 =	veq.s32 v16, v8  }
0x1dc: {  	s15 =	sadd.s32 $0x2, s15;
	v13 =	vand.u32 $0x7FF, v13;
	v19 =	vor.u32 $0x1000, v14;
	v18 =	vld [tilespmem:s18+$0xFFFFFFF0];
	vm6 =	vmand vm5, vm6  }
0x1dd: {  	v15 =	vshra.s32 v10, $0x14;
	v20 =	vor.u32 $0x1800, v14;
	p2 =	slt.u32 s15, $0x3FE;
	vm5 =	veq.s32 v13, v9;
	[tilespmem:v12+s14+$0x0] =	vst.idx.add.s32.msk vm3, v1  }
.Ltmp13:
0x1de: {  	vm7 =	veq.s32 v15, v5;
	vm8 =	veq.s32 v13, v8;
	vm3 =	veq.s32 v15, v4;
	(pc) =	sbr.rel @p2 .LBB2_26-.Ltmp13, $4  }
0x1df: {  	v12 =	vand.u32 $0x1FF, v10;
	vm3 =	vmand vm3, vm5;
	[tilespmem:v11+s14+$0x0] =	vst.idx.add.s32.msk vm2, v1;
	vm2 =	vmand vm7, vm8  }
0x1e0: {  	v11 =	vor.u32 $0x800, v12;
	v14 =	vshrl.u32 v17, $0x9  }
0x1e1: {  	v15 =	vshra.s32 v17, $0x14;
	v13 =	vshrl.u32 v18, $0x9;
	v16 =	vand.u32 $0x7FF, v14;
	[tilespmem:v19+s14+$0x0] =	vst.idx.add.s32.msk vm4, v1;
	v10 =	vmovc v18  }
0x1e2: {  	s18 =	sadd.s32 $0x20, s18;
	vm4 =	veq.s32 v15, v4;
	v14 =	vand.u32 $0x1FF, v17;
	vm5 =	veq.s32 v16, v9;
	[tilespmem:v20+s14+$0x0] =	vst.idx.add.s32.msk vm6, v1  }
0x1e3: {  	vm4 =	vmand vm4, vm5  }
0x1e4: {  	vm13 =	veq.s32 v15, v5;
	vm6 =	veq.s32 v16, v8;
	v13 =	vand.u32 $0x7FF, v13  }
0x1e5: {  	v62 =	vor.u32 $0x1000, v14;
	v63 =	vshra.s32 v10, $0x14;
	vm5 =	vmand vm13, vm6  }
0x1e6: {  	vm14 =	veq.s32 v13, v9;
	v9 =	vor.u32 $0x1800, v14;
	vm7 =	veq.s32 v63, v4  }
0x1e7: {  	vm8 =	veq.s32 v63, v5;
	vm15 =	veq.s32 v13, v8;
	vm6 =	vmand vm7, vm14  }
0x1e8: {  	v4 =	vand.u32 $0x1FF, v10;
	vm7 =	vmand vm8, vm15  }
0x1e9: {  	[tilespmem:v12+s14+$0x0] =	vst.idx.add.s32.msk vm3, v1;
	v5 =	vor.u32 $0x800, v4  }
0x1ea: {  	s19 =	simm.s32 $0x4000;
	[tilespmem:v11+s14+$0x0] =	vst.idx.add.s32.msk vm2, v1  }
0x1eb: {  	[tilespmem:v62+s19+$0x0] =	vst.idx.add.s32.msk vm4, v1  }
0x1ec: {  	[tilespmem:v9+s19+$0x0] =	vst.idx.add.s32.msk vm5, v1  }
0x1ed: {  	[tilespmem:v4+s19+$0x0] =	vst.idx.add.s32.msk vm6, v1  }
0x1ee: {  	s14 =	simm.s32 $0x0;
	[tilespmem:v5+s19+$0x0] =	vst.idx.add.s32.msk vm7, v1  }
0x1ef: {  	s15 =	sand.u32 $0xFC0, s14;
	v9 =	vld [tilespmem:s19+$0x0]  }
0x1f0: {  	v11 =	vld [tilespmem:s15+$0x5000]  }
0x1f1: {  	p2 =	por $0x1, $0x1;
	v5 =	vld [tilespmem:s19+$0x10]  }
.Ltmp14:
0x1f2: {  	v10 =	vld [tilespmem:s19+$0x1010];
	(pc) =	sbr.rel @!p2 .LBB2_29-.Ltmp14, $4  }
0x1f3: {  	v4 =	vld [tilespmem:s19+$0x20]  }
0x1f4: {  	v8 =	vld [tilespmem:s19+$0x1020]  }
0x1f5: {  	s15 =	simm.s32 $0x6020;
	v11 =	vadd.s32 v9, v11;
	v9 =	vld [tilespmem:s19+$0x30]  }
0x1f6: {  	s18 =	simm.s32 $0x0;
	s20 =	simm.s32 $0x40;
	[tilespmem:s15+$0xFFFFFFE0] =	vst v11;
	v11 =	vld [tilespmem:s19+$0x1030];
	s19 =	simm.s32 $0x4040  }
.LBB2_28:
0x1f7: {  	v12 =	vld [tilespmem:s19+$0x0];
	s21 =	sand.u32 $0xFC0, s20;
	s18 =	sadd.s32 $0x4, s18;
	v5 =	vadd.s32 v5, v10  }
0x1f8: {  	v13 =	vld [tilespmem:s21+$0x5000];
	p2 =	slt.u32 s18, $0xFC;
	[tilespmem:s15+$0xFFFFFFF0] =	vst v5  }
0x1f9: {  	v5 =	vld [tilespmem:s19+$0x10];
	v4 =	vadd.s32 v4, v8  }
.Ltmp15:
0x1fa: {  	v10 =	vld [tilespmem:s19+$0x1010];
	[tilespmem:s15+$0x0] =	vst v4;
	(pc) =	sbr.rel @p2 .LBB2_28-.Ltmp15, $4  }
0x1fb: {  	v4 =	vld [tilespmem:s19+$0x20];
	v9 =	vadd.s32 v9, v11  }
0x1fc: {  	v8 =	vld [tilespmem:s19+$0x1020];
	[tilespmem:s15+$0x10] =	vst v9  }
0x1fd: {  	s15 =	sadd.s32 $0x40, s15;
	v11 =	vadd.s32 v12, v13;
	v9 =	vld [tilespmem:s19+$0x30]  }
0x1fe: {  	s20 =	sadd.s32 $0x40, s20;
	[tilespmem:s15+$0xFFFFFFE0] =	vst v11;
	v11 =	vld [tilespmem:s19+$0x1030];
	s19 =	sadd.s32 $0x40, s19  }
.LBB2_29:
0x1ff: {  	_ =	sdelay $0x1  }
0x200: {  	v5 =	vadd.s32 v5, v10  }
0x201: {  	[tilespmem:s15+$0xFFFFFFF0] =	vst v5;
	v4 =	vadd.s32 v4, v8  }
0x202: {  	[tilespmem:s15+$0x0] =	vst v4;
	v4 =	vadd.s32 v9, v11  }
0x203: {  	s29 =	simm.s32 $0x6000;
	[tilespmem:s15+$0x10] =	vst v4  }
0x204: {  	[spmem:s3] =	stream.indirect.scatter.add.s32 [tilespmem:s29], [sflag:$0x1], $0x1000, s10, s8, $0xb8;
	[tilespmem:$0x7280] =	vst v63  }
0x205: {  	_ =	swait.ge [sflag:s8], $0x1000  }
0x206: {  	[sflag:s8] =	ssyncset.done $0x0  }
0x207: {  	[sflag:s8] =	ssyncadd.s32 $0xFFFFF000  }
0x208: {  	[bflag:$0x0] =	sbarrier.arrive $0xFFFF  }
0x209: {  	[tilespmem:s29], [sflag:$0x1] =	stream.linear.gather [spmem:s3], $0x1000, $0x38;
	[tilespmem:$0x7280] =	vst v63  }
0x20a: {  	_ =	swait.ge [sflag:s8], $0x1000  }
0x20b: {  	[sflag:s8] =	ssyncset.done $0x0  }
0x20c: {  	[sflag:s8] =	ssyncadd.s32 $0xFFFFF000  }
0x20d: {  	[bflag:$0x0] =	sbarrier.arrive $0xFFFF  }
0x20e: {  	s14 =	sand.u32 $0x1E0, s14;
	v4 =	vld [tilespmem:s29+$0x0]  }
0x20f: {  	v5 =	vld [tilespmem:s14+$0x6800];
	_ =	sdelay $0x3  }
0x210: {  	v8 =	vld [tilespmem:s29+$0x10];
	(xrf0) =	vadd.scan.msk.s32 $0xffff, v4  }
0x211: {  	s30 =	simm.s32 $0x6020;
	v9 =	vld [tilespmem:s29+$0x810];
	(xrf0) =	vadd.scan.msk.s32 $0xffff, v5  }
0x212: {  	v5 =	vld [tilespmem:s30+$0x0];
	_ =	sdelay $0x1  }
0x213: {  	s31 =	simm.s32 $0x20  }
0x214: {  	s15 =	sand.u32 $0x1E0, s31;
	(xrf0) =	vadd.scan.msk.s32 $0xffff, v8  }
0x215: {  	v8 =	vld [tilespmem:s15+$0x6800];
	(xrf0) =	vadd.scan.msk.s32 $0xffff, v9;
	v9, _, _ =	vpop (xrf0)  }
0x216: {  	v4 =	vimm.s32 $0x0;
	(xrf0) =	vadd.scan.msk.s32 $0xffff, v5;
	v5, _, _ =	vpop (xrf0)  }
0x217: {  	v12 =	vld [tilespmem:s30+$0x10];
	v5 =	vadd.s32 v4, v5  }
0x218: {  	v14 =	vld [tilespmem:s30+$0x810];
	_ =	sdelay $0x1  }
0x219: {  	s14 =	simm.s32 $0x40;
	s15 =	simm.s32 $0x6040;
	v9 =	vadd.s32 v4, v9;
	v15 =	vperm.xlane v5, v2;
	vm2 =	vle.s32 v5, v6;
	v5, _, _ =	vpop (xrf0);
	(xrf0) =	vadd.scan.msk.s32 $0xffff, v8  }
0x21a: {  	s18 =	sand.u32 $0x1E0, s14;
	v10 =	vld [tilespmem:s15+$0x0];
	v13 =	vperm.xlane v9, v2  }
0x21b: {  	vm3 =	vle.s32 v9, v7;
	v9 =	vld [tilespmem:s18+$0x6800];
	v11 =	vsel vm2, $0x1, v0;
	v16, _, _ =	vpop (xrf0);
	(xrf0) =	vadd.scan.msk.s32 $0xffff, v12  }
0x21c: {  	v11 =	vadd.s32 v11, v4;
	v17 =	vadd.s32 v13, v5;
	v8 =	vadd.s32 v15, v16;
	(xrf0) =	vadd.scan.msk.s32 $0xffff, v14  }
0x21d: {  	v5 =	vld [tilespmem:s15+$0x10];
	v13 =	vperm.xlane v17, v2;
	v16 =	vsel vm3, $0x1, v0;
	vm4 =	vle.s32 v8, v6  }
0x21e: {  	s18 =	simm.s32 $0x4;
	v14, _, _ =	vpop (xrf0);
	vm2 =	vle.s32 v17, v7;
	v12 =	vperm.xlane v8, v2;
	v8 =	vld [tilespmem:s15+$0x810];
	v15 =	vsel vm4, $0x1, v0  }
.LBB2_30:
0x21f: {  	s18 =	sadd.s32 $0x2, s18;
	(xrf0) =	vadd.scan.msk.s32 $0xffff, v10;
	v10, _, _ =	vpop (xrf0);
	v4 =	vadd.s32 v16, v4;
	v16 =	vsel vm2, $0x1, v0;
	v11 =	vadd.s32 v15, v11  }
0x220: {  	s14 =	sadd.s32 $0x20, s14;
	s15 =	sadd.s32 $0x20, s15;
	v17 =	vadd.s32 v13, v14;
	p2 =	slt.u32 s18, $0x1E;
	(xrf0) =	vadd.scan.msk.s32 $0xffff, v9;
	v9 =	vadd.s32 v12, v10;
	v4 =	vadd.s32 v16, v4  }
.Ltmp16:
0x221: {  	s19 =	sand.u32 $0x1E0, s14;
	v12 =	vperm.xlane v17, v2;
	v10 =	vld [tilespmem:s15+$0x0];
	v14 =	vperm.xlane v9, v2;
	vm2 =	vle.s32 v9, v6;
	v15, _, _ =	vpop (xrf0);
	(pc) =	sbr.rel @p2 .LBB2_30-.Ltmp16, $4  }
0x222: {  	vm3 =	vle.s32 v17, v7;
	v9 =	vld [tilespmem:s19+$0x6800];
	(xrf0) =	vadd.scan.msk.s32 $0xffff, v5;
	v5 =	vsel vm2, $0x1, v0;
	v13, _, _ =	vpop (xrf0)  }
0x223: {  	v15 =	vadd.s32 v12, v15;
	(xrf0) =	vadd.scan.msk.s32 $0xffff, v8;
	v11 =	vadd.s32 v5, v11;
	v8 =	vadd.s32 v14, v13  }
0x224: {  	v13 =	vperm.xlane v15, v2;
	v5 =	vld [tilespmem:s15+$0x10];
	v12 =	vperm.xlane v8, v2;
	vm4 =	vle.s32 v8, v6  }
0x225: {  	v16 =	vsel vm3, $0x1, v0;
	vm2 =	vle.s32 v15, v7;
	v8 =	vld [tilespmem:s15+$0x810];
	v14, _, _ =	vpop (xrf0);
	v15 =	vsel vm4, $0x1, v0  }
0x226: {  	(xrf0) =	vadd.scan.msk.s32 $0xffff, v10;
	v37, _, _ =	vpop (xrf0);
	v4 =	vadd.s32 v16, v4;
	v38 =	vsel vm2, $0x1, v0  }
0x227: {  	v13 =	vadd.s32 v13, v14;
	v11 =	vadd.s32 v15, v11;
	(xrf0) =	vadd.scan.msk.s32 $0xffff, v9;
	v39 =	vadd.s32 v12, v37  }
0x228: {  	v40 =	vperm.xlane v13, v2;
	v4 =	vadd.s32 v38, v4;
	vm3 =	vle.s32 v13, v7  }
0x229: {  	v12 =	vperm.xlane v39, v2;
	vm2 =	vle.s32 v39, v6;
	v41, _, _ =	vpop (xrf0);
	v47 =	vsel vm3, $0x1, v0;
	(xrf0) =	vadd.scan.msk.s32 $0xffff, v5  }
0x22a: {  	v42 =	vsel vm2, $0x1, v0;
	v43, _, _ =	vpop (xrf0);
	v9 =	vadd.s32 v40, v41;
	v4 =	vadd.s32 v47, v4;
	(xrf0) =	vadd.scan.msk.s32 $0xffff, v8  }
0x22b: {  	v5 =	vadd.s32 v42, v11;
	v44 =	vadd.s32 v12, v43;
	v10 =	vperm.xlane v9, v2  }
0x22c: {  	vm3 =	vle.s32 v9, v7;
	v45 =	vperm.xlane v44, v2;
	vm2 =	vle.s32 v44, v6;
	v46, _, _ =	vpop (xrf0)  }
0x22d: {  	v50 =	vsel vm3, $0x1, v0;
	v48 =	vsel vm2, $0x1, v0;
	v8 =	vadd.s32 v10, v46;
	v49, _, _ =	vpop (xrf0)  }
0x22e: {  	v4 =	vadd.s32 v50, v4;
	v51 =	vperm.xlane v8, v2;
	v52 =	vadd.s32 v45, v49  }
0x22f: {  	v5 =	vadd.s32 v48, v5;
	vm2 =	vle.s32 v8, v7;
	v53, _, _ =	vpop (xrf0);
	v11 =	vperm.xlane v52, v2  }
0x230: {  	vm3 =	vle.s32 v52, v6;
	v56 =	vsel vm2, $0x1, v0;
	v54 =	vadd.s32 v51, v53;
	v55, _, _ =	vpop (xrf0)  }
0x231: {  	v4 =	vadd.s32 v56, v4;
	vm2 =	vle.s32 v54, v7;
	v57 =	vadd.s32 v11, v55  }
0x232: {  	v58 =	vsel vm3, $0x1, v0;
	v8 =	vsel vm2, $0x1, v0;
	vm2 =	vle.s32 v57, v6  }
0x233: {  	v5 =	vadd.s32 v58, v5;
	v4 =	vadd.s32 v8, v4;
	v6 =	vsel vm2, $0x1, v0  }
0x234: {  	(xrf0) =	vadd.scan.msk.s32 $0xffff, v4;
	v59 =	vadd.s32 v6, v5  }
0x235: {  	(xrf0) =	vadd.scan.msk.s32 $0xffff, v59;
	_ =	sdelay $0x4  }
0x236: {  	v60, _, _ =	vpop (xrf0)  }
0x237: {  	(v2sf) =	vpush v60, $0xF;
	v61, _, _ =	vpop (xrf0)  }
0x238: {  	(v2sf) =	vpush v61, $0xF;
	_ =	sdelay $0xc  }
0x239: {  	s12 =	sshll.u32 s12, $0x14;
	s15 =	sshll.u32 s16, $0x9  }
0x23a: {  	s13 =	sshll.u32 s13, $0x14;
	s30 =	sshll.u32 s17, $0x9;
	s14 =	spop (v2sf)  }
0x23b: {  	s12 =	sor.u32 s12, s15;
	s13 =	sor.u32 s13, s30;
	s31 =	spop (v2sf)  }
0x23c: {  	s12 =	sor.u32 s14, s12;
	s13 =	sor.u32 s31, s13  }
0x23d: {  	v62 =	vmov s12;
	v63 =	vmov s13  }
0x23e: {  	v5 =	vsub.f32 v63, v62;
	_ =	sdelay $0x1  }
0x23f: {  	v5 =	vbroadcast v5, $0x0;
	_ =	sdelay $0x1  }
0x240: {  	v4 =	vbroadcast v62, $0x0;
	v3 =	vmul.f32 v5, v3;
	_ =	sdelay $0x1  }
0x241: {  	v3 =	vadd.f32 v3, v4  }
0x242: {  	s11 =	sadd.s32 $0x1, s11  }
0x243: {  	p2 =	sne.s32 s11, s7;
	s12 =	simm.s32 @!p0 $0x0;
	s13 =	simm.s32 @!p0 $0x7100;
	[tilespmem:$0x7100] =	vst v3  }
0x244: {  	[hbm4b:s6+s12] =	stream.linear.scatter @!p0 [tilespmem:s13], [sflag:$0x1], $0x80, $0x38;
	[tilespmem:$0x7280] =	vst v63  }
.Ltmp17:
0x245: {  	_ = 	snop;
	(pc) =	sbr.rel @p2 .LBB2_1-.Ltmp17, $4  }
0x246: {  	s12 =	simm.s32 @!p0 $0x1  }
0x247: {  	_ =	swait.ge @!p0 [sflag:s12], $0x80  }
0x248: {  	[sflag:s12] =	ssyncset.done @!p0 $0x0  }
0x249: {  	[sflag:s12] =	ssyncadd.s32 @!p0 $0xFFFFFF80  }
0x24a: {  	_ =	sfence.sel $0x180000  }
0x24b: {  	[bflag:$0x0] =	sbarrier.arrive $0xFFFF  }
0x24c: {  	_ =	strace $0x90000047  }
0x24d: {  	s0 =	sadd.s32 @!p0 $0x100000, s0;
	[bflag:$0x2] =	sbarrier.arrive $0xFFFF  }
0x24e: {  	[sflag:s0] =	ssyncadd.tile.s32 @!p0 $0x1;
	_ =	shalt  }
.Lfunc_end2:
_tile_overlayer_lowered:
.L_overlay_start_2:
0x24f: {  	(tag) =	ssettag $0x2  }
0x250: {  	s0 =	rddreg [dreg:$0x0];
	s2 =	stileid.u32  }
0x251: {  	s1 =	rddreg [dreg:$0x1];
	p0 =	sne.s32 s2, $0x0  }
0x252: {  	s3 =	rddreg [dreg:$0x2];
	[bflag:$0x3] =	sbarrier.arrive $0xFFFF;
	s2 =	simm.s32 @!p0 $0x1C01  }
0x253: {  	[timem:s3], [sflag:s2] =	dma.local @!p0 [hbm:s0], s1  }
0x254: {  	s0 =	simm.s32 @!p0 $0x1  }
0x255: {  	_ =	swait.ge @!p0 [sflag:s0], s1  }
0x256: {  	s1 =	ssub.s32 @!p0 $0x0, s1;
	[sflag:s0] =	ssyncset.done @!p0 $0x0  }
0x257: {  	[sflag:s0] =	ssyncadd.s32 @!p0 s1  }
0x258: {  	[bflag:$0x3] =	sbarrier.arrive $0xFFFF  }
0x259: {  	_ =	shalt  }

</sc_bundles>
